<compile_context>
chip_gen: v7x
topology: tpu7x:2x2x1
jax: 0.10.2.dev20260603
libtpu: 0.0.44.dev20260713+nightly
codegen_flags: <defaults>
</compile_context>

<pallas_src>
import functools

import jax
import jax.numpy as jnp
from jax import lax
from jax.experimental import pallas as pl
from jax.experimental.pallas import tpu as pltpu
from jax.experimental.pallas import tpu_sc as plsc

BATCH = 16384
SEQ = 200
VOCAB = 15
EMBED = 32
TW = 16

NC = 2
NS = 16
NW = NC * NS
NBW = 1024
NB_SLABS = BATCH // NBW
S_PER_W = SEQ // (NW // NB_SLABS)
NGROUPS = NBW // 16

_mesh = plsc.VectorSubcoreMesh(core_axis_name="c", subcore_axis_name="s")


@functools.partial(
    pl.kernel,
    out_type=jax.ShapeDtypeStruct((SEQ, EMBED, BATCH), jnp.float32),
    mesh=_mesh,
    scratch_types=[
        pltpu.VMEM((EMBED * TW,), jnp.float32),
        pltpu.VMEM((2, 8, 128), jnp.int32),
        pltpu.VMEM((2, EMBED, NBW), jnp.float32),
        pltpu.SemaphoreType.DMA((2,)),
        pltpu.SemaphoreType.DMA((2,)),
    ],
    compiler_params=pltpu.CompilerParams(needs_layout_passes=False),
)
def _emb_lookup(idx_hbm, table_hbm, out_hbm, table_v, idx_v, out_v, sem_i, sem_o):
    wid = lax.axis_index("s") * NC + lax.axis_index("c")
    b0 = pl.multiple_of((wid % NB_SLABS) * NBW, NBW)
    bh0 = pl.multiple_of((wid % NB_SLABS) * (NBW // 128), NBW // 128)
    s0 = (wid // NB_SLABS) * S_PER_W
    pltpu.sync_copy(table_hbm, table_v)

    def idx_start(s, buf):
        sa = s0 + s
        pltpu.async_copy(
            idx_hbm.at[sa // 8, pl.ds(bh0, 8), lax.rem(sa, 8), :],
            idx_v.at[buf],
            sem_i.at[buf],
        )

    idx_start(0, 0)
    idx_start(1, 1)

    def s_body(i, carry):
        buf = lax.rem(i, 2)
        pltpu.make_async_copy(
            idx_hbm.at[0, pl.ds(0, 8), 0, :], idx_v.at[buf], sem_i.at[buf]
        ).wait()

        @pl.when(i >= 2)
        def _():
            pltpu.make_async_copy(
                out_v.at[buf], out_hbm.at[0, :, pl.ds(b0, NBW)], sem_o.at[buf]
            ).wait()

        @plsc.parallel_loop(0, NGROUPS, unroll=2)
        def group_body(g):
            idxv = idx_v[buf, g // 8, pl.ds(lax.rem(g, 8) * 16, 16)]
            for d in range(EMBED):
                vals = plsc.load_gather(table_v, [idxv + d * TW])
                out_v[buf, d, pl.ds(g * 16, 16)] = vals

        pltpu.async_copy(
            out_v.at[buf], out_hbm.at[s0 + i, :, pl.ds(b0, NBW)], sem_o.at[buf]
        )

        @pl.when(i + 2 < S_PER_W)
        def _():
            idx_start(i + 2, buf)

        return carry

    lax.fori_loop(0, S_PER_W, s_body, 0)

    for buf in range(2):
        pltpu.make_async_copy(
            out_v.at[buf], out_hbm.at[0, :, pl.ds(b0, NBW)], sem_o.at[buf]
        ).wait()


def kernel(indices, embedding):
    idx_sm = indices.reshape(BATCH // 128, 128, SEQ // 8, 8).transpose(
        2, 0, 3, 1
    )
    table_t = (
        jnp.zeros((EMBED, TW), jnp.float32)
        .at[:, :VOCAB]
        .set(embedding.T)
        .reshape(EMBED * TW)
    )
    out_t = _emb_lookup(idx_sm, table_t)
    return jnp.transpose(out_t, (2, 0, 1))

# --- scband reference (transcript-rebuilt; emitter-appended) ---
"""Pipeline reference for scband-nucleotide-embedding-layer-70282844832502 (READ-ONLY COPY).

The authoritative reference and input builder live on the scoring server;
editing this copy changes nothing except your own understanding.
"""

import jax, jax.numpy as jnp
import numpy as np

BATCH = 16384
SEQ = 200
VOCAB = 15
EMBED_DIM = 32


def setup_inputs(seed: int = 0) -> dict:
    key = jax.random.key(seed)
    k_idx, k_emb = jax.random.split(key)
    # In the original layer, strings are mapped to indices in [0, 15) via a
    # StaticHashTable. We model the post-lookup integer indices directly.
    indices = jax.random.randint(k_idx, (BATCH, SEQ), 0, VOCAB, dtype=jnp.int32)
    # he_normal initializer: stddev = sqrt(2 / fan_in), fan_in = 15
    embedding = jax.random.normal(k_emb, (VOCAB, EMBED_DIM), dtype=jnp.float32) * np.sqrt(2.0 / VOCAB)
    return {"indices": indices, "embedding": embedding}


def reference(indices, embedding):
    # tf.nn.embedding_lookup(self.embedding, input_indices)
    return jnp.take(embedding, indices, axis=0)

if __name__ == "__main__":
    import jax
    _d = setup_inputs()
    print(jax.jit(kernel)(*tuple(_d.values())))

</pallas_src>

<mosaic_0001>
#map = affine_map<(d0, d1) -> (0, 0, 0, 0)>
#map1 = affine_map<(d0, d1) -> (0)>
#map2 = affine_map<(d0, d1) -> (0, 0, 0)>
module attributes {stable_mosaic.version = 14 : i64} {
  func.func @_emb_lookup(%arg0: i32, %arg1: i32, %arg2: memref<25x128x8x128xi32, #tpu.memory_space<hbm>>, %arg3: memref<512xf32, #tpu.memory_space<hbm>>, %arg4: memref<200x32x16384xf32, #tpu.memory_space<hbm>>, %arg5: memref<512xf32, #tpu.memory_space<vmem>>, %arg6: memref<2x8x128xi32, #tpu.memory_space<vmem>>, %arg7: memref<2x32x1024xf32, #tpu.memory_space<vmem>>, %arg8: memref<2x!tpu.dma_semaphore, #tpu.memory_space<semaphore_mem>>, %arg9: memref<2x!tpu.dma_semaphore, #tpu.memory_space<semaphore_mem>>) attributes {dimension_semantics = [#tpu.dimension_semantics<core_parallel>, #tpu.dimension_semantics<subcore_parallel>], iteration_bounds = array<i64: 2, 16>, scalar_prefetch = 0 : i64, scratch_operands = 5 : i64, tpu.core_type = #tpu.core_type<sc_vector_subcore>, window_params = [{transform_indices = #map}, {transform_indices = #map1}, {transform_indices = #map2}]} {
    %mul3A = arith.constant 2 : i32
    %mul3A_0 = arith.muli %arg1, %mul3A : i32
    %add3A = arith.addi %mul3A_0, %arg0 : i32
    %jit3A = arith.constant 16 : i32
    %eq3A = arith.constant 0 : i32
    %eq3A_1 = arith.cmpi eq, %jit3A, %eq3A : i32
    %jit3A_2 = arith.constant 1 : i32
    %select_n3A = arith.select %eq3A_1, %jit3A_2, %jit3A : i32
    %rem3A = arith.remsi %add3A, %select_n3A : i32
    %ne3A = arith.constant 0 : i32
    %ne3A_3 = arith.cmpi ne, %rem3A, %ne3A : i32
    %lt3A = arith.constant 0 : i32
    %lt3A_4 = arith.cmpi slt, %rem3A, %lt3A : i32
    %lt3A_5 = arith.constant 0 : i32
    %lt3A_6 = arith.cmpi slt, %select_n3A, %lt3A_5 : i32
    %ne3A_7 = arith.xori %lt3A_4, %lt3A_6 : i1
    %and3A = arith.andi %ne3A_7, %ne3A_3 : i1
    %add3A_8 = arith.addi %rem3A, %select_n3A : i32
    %select_n3A_9 = arith.select %and3A, %add3A_8, %rem3A : i32
    %mul3A_10 = arith.constant 1024 : i32
    %mul3A_11 = arith.muli %select_n3A_9, %mul3A_10 : i32
    %multiple_of3A = tpu.assume_multiple %mul3A_11, 1024 : i32
    %jit3A_12 = arith.constant 16 : i32
    %eq3A_13 = arith.constant 0 : i32
    %eq3A_14 = arith.cmpi eq, %jit3A_12, %eq3A_13 : i32
    %jit3A_15 = arith.constant 1 : i32
    %select_n3A_16 = arith.select %eq3A_14, %jit3A_15, %jit3A_12 : i32
    %rem3A_17 = arith.remsi %add3A, %select_n3A_16 : i32
    %ne3A_18 = arith.constant 0 : i32
    %ne3A_19 = arith.cmpi ne, %rem3A_17, %ne3A_18 : i32
    %lt3A_20 = arith.constant 0 : i32
    %lt3A_21 = arith.cmpi slt, %rem3A_17, %lt3A_20 : i32
    %lt3A_22 = arith.constant 0 : i32
    %lt3A_23 = arith.cmpi slt, %select_n3A_16, %lt3A_22 : i32
    %ne3A_24 = arith.xori %lt3A_21, %lt3A_23 : i1
    %and3A_25 = arith.andi %ne3A_24, %ne3A_19 : i1
    %add3A_26 = arith.addi %rem3A_17, %select_n3A_16 : i32
    %select_n3A_27 = arith.select %and3A_25, %add3A_26, %rem3A_17 : i32
    %mul3A_28 = arith.constant 8 : i32
    %mul3A_29 = arith.muli %select_n3A_27, %mul3A_28 : i32
    %multiple_of3A_30 = tpu.assume_multiple %mul3A_29, 8 : i32
    %jit3A_31 = arith.constant 16 : i32
    %div3A = arith.divsi %add3A, %jit3A_31 : i32
    %sign3A = arith.constant 0 : i32
    %sign3A_32 = arith.cmpi sgt, %add3A, %sign3A : i32
    %sign3A_33 = arith.extui %sign3A_32 : i1 to i32
    %sign3A_34 = arith.constant 0 : i32
    %sign3A_35 = arith.cmpi slt, %add3A, %sign3A_34 : i32
    %sign3A_36 = arith.extui %sign3A_35 : i1 to i32
    %sign3A_37 = arith.subi %sign3A_33, %sign3A_36 : i32
    %sign3A_38 = arith.constant 0 : i32
    %sign3A_39 = arith.cmpi sgt, %jit3A_31, %sign3A_38 : i32
    %sign3A_40 = arith.extui %sign3A_39 : i1 to i32
    %sign3A_41 = arith.constant 0 : i32
    %sign3A_42 = arith.cmpi slt, %jit3A_31, %sign3A_41 : i32
    %sign3A_43 = arith.extui %sign3A_42 : i1 to i32
    %sign3A_44 = arith.subi %sign3A_40, %sign3A_43 : i32
    %ne3A_45 = arith.cmpi ne, %sign3A_37, %sign3A_44 : i32
    %rem3A_46 = arith.remsi %add3A, %jit3A_31 : i32
    %ne3A_47 = arith.constant 0 : i32
    %ne3A_48 = arith.cmpi ne, %rem3A_46, %ne3A_47 : i32
    %and3A_49 = arith.andi %ne3A_45, %ne3A_48 : i1
    %sub3A = arith.constant 1 : i32
    %sub3A_50 = arith.subi %div3A, %sub3A : i32
    %select_n3A_51 = arith.select %and3A_49, %sub3A_50, %div3A : i32
    %mul3A_52 = arith.constant 100 : i32
    %mul3A_53 = arith.muli %select_n3A_51, %mul3A_52 : i32
    "tpu.region"() ({
      %run_scoped3A = tpu.sem_alloc : memref<!tpu.dma_semaphore, #tpu.memory_space<semaphore_mem>>
      tpu.enqueue_dma source(%arg3 : memref<512xf32, #tpu.memory_space<hbm>>) target(%arg5 : memref<512xf32, #tpu.memory_space<vmem>>) target_semaphore(%run_scoped3A : memref<!tpu.dma_semaphore, #tpu.memory_space<semaphore_mem>>)
      tpu.wait_dma2 semaphore(%run_scoped3A : memref<!tpu.dma_semaphore, #tpu.memory_space<semaphore_mem>>) src(%arg3 : memref<512xf32, #tpu.memory_space<hbm>>) dst(%arg5 : memref<512xf32, #tpu.memory_space<vmem>>)
      tpu.yield
    }) : () -> ()
    %add3A_54 = arith.constant 0 : i32
    %add3A_55 = arith.addi %mul3A_53, %add3A_54 : i32
    %jit3A_56 = arith.constant 8 : i32
    %div3A_57 = arith.divsi %add3A_55, %jit3A_56 : i32
    %sign3A_58 = arith.constant 0 : i32
    %sign3A_59 = arith.cmpi sgt, %add3A_55, %sign3A_58 : i32
    %sign3A_60 = arith.extui %sign3A_59 : i1 to i32
    %sign3A_61 = arith.constant 0 : i32
    %sign3A_62 = arith.cmpi slt, %add3A_55, %sign3A_61 : i32
    %sign3A_63 = arith.extui %sign3A_62 : i1 to i32
    %sign3A_64 = arith.subi %sign3A_60, %sign3A_63 : i32
    %sign3A_65 = arith.constant 0 : i32
    %sign3A_66 = arith.cmpi sgt, %jit3A_56, %sign3A_65 : i32
    %sign3A_67 = arith.extui %sign3A_66 : i1 to i32
    %sign3A_68 = arith.constant 0 : i32
    %sign3A_69 = arith.cmpi slt, %jit3A_56, %sign3A_68 : i32
    %sign3A_70 = arith.extui %sign3A_69 : i1 to i32
    %sign3A_71 = arith.subi %sign3A_67, %sign3A_70 : i32
    %ne3A_72 = arith.cmpi ne, %sign3A_64, %sign3A_71 : i32
    %rem3A_73 = arith.remsi %add3A_55, %jit3A_56 : i32
    %ne3A_74 = arith.constant 0 : i32
    %ne3A_75 = arith.cmpi ne, %rem3A_73, %ne3A_74 : i32
    %and3A_76 = arith.andi %ne3A_72, %ne3A_75 : i1
    %sub3A_77 = arith.constant 1 : i32
    %sub3A_78 = arith.subi %div3A_57, %sub3A_77 : i32
    %select_n3A_79 = arith.select %and3A_76, %sub3A_78, %div3A_57 : i32
    %rem3A_80 = arith.constant 8 : i32
    %rem3A_81 = arith.remsi %add3A_55, %rem3A_80 : i32
    %dma_start3A = arith.constant 0 : i32
    %dma_start3A_82 = arith.constant 0 : i32
    %dma_start3A_83 = arith.constant 0 : i32
    %dma_start3A_84 = arith.constant 0 : i32
    %dma_start3A_85 = tpu.memref_slice %arg6[%dma_start3A, %dma_start3A_83, %dma_start3A_84] : memref<2x8x128xi32, #tpu.memory_space<vmem>> -> memref<1x8x128xi32, #tpu.memory_space<vmem>>
    %dma_start3A_86 = tpu.memref_squeeze %dma_start3A_85 : memref<1x8x128xi32, #tpu.memory_space<vmem>> -> memref<8x128xi32, #tpu.memory_space<vmem>>
    %dma_start3A_87 = arith.constant 0 : i32
    %dma_start3A_88 = tpu.memref_slice %arg2[%select_n3A_79, %multiple_of3A_30, %rem3A_81, %dma_start3A_87] : memref<25x128x8x128xi32, #tpu.memory_space<hbm>> -> memref<1x8x1x128xi32, #tpu.memory_space<hbm>>
    %dma_start3A_89 = tpu.memref_squeeze %dma_start3A_88 : memref<1x8x1x128xi32, #tpu.memory_space<hbm>> -> memref<8x128xi32, #tpu.memory_space<hbm>>
    %dma_start3A_90 = tpu.memref_slice %arg8[%dma_start3A_82] : memref<2x!tpu.dma_semaphore, #tpu.memory_space<semaphore_mem>> -> memref<1x!tpu.dma_semaphore, #tpu.memory_space<semaphore_mem>>
    %dma_start3A_91 = tpu.memref_squeeze %dma_start3A_90 : memref<1x!tpu.dma_semaphore, #tpu.memory_space<semaphore_mem>> -> memref<!tpu.dma_semaphore, #tpu.memory_space<semaphore_mem>>
    %dma_start3A_92 = arith.constant 0 : i32
    %dma_start3A_93 = arith.constant 0 : i32
    %dma_start3A_94 = tpu.memref_slice %arg6[%dma_start3A, %dma_start3A_92, %dma_start3A_93] : memref<2x8x128xi32, #tpu.memory_space<vmem>> -> memref<1x8x128xi32, #tpu.memory_space<vmem>>
    %dma_start3A_95 = tpu.memref_squeeze %dma_start3A_94 : memref<1x8x128xi32, #tpu.memory_space<vmem>> -> memref<8x128xi32, #tpu.memory_space<vmem>>
    %dma_start3A_96 = arith.constant 0 : i32
    %dma_start3A_97 = tpu.memref_slice %arg2[%select_n3A_79, %multiple_of3A_30, %rem3A_81, %dma_start3A_96] : memref<25x128x8x128xi32, #tpu.memory_space<hbm>> -> memref<1x8x1x128xi32, #tpu.memory_space<hbm>>
    %dma_start3A_98 = tpu.memref_squeeze %dma_start3A_97 : memref<1x8x1x128xi32, #tpu.memory_space<hbm>> -> memref<8x128xi32, #tpu.memory_space<hbm>>
    tpu.enqueue_dma source(%dma_start3A_98 : memref<8x128xi32, #tpu.memory_space<hbm>>) target(%dma_start3A_95 : memref<8x128xi32, #tpu.memory_space<vmem>>) target_semaphore(%dma_start3A_91 : memref<!tpu.dma_semaphore, #tpu.memory_space<semaphore_mem>>)
    %add3A_99 = arith.constant 1 : i32
    %add3A_100 = arith.addi %mul3A_53, %add3A_99 : i32
    %jit3A_101 = arith.constant 8 : i32
    %div3A_102 = arith.divsi %add3A_100, %jit3A_101 : i32
    %sign3A_103 = arith.constant 0 : i32
    %sign3A_104 = arith.cmpi sgt, %add3A_100, %sign3A_103 : i32
    %sign3A_105 = arith.extui %sign3A_104 : i1 to i32
    %sign3A_106 = arith.constant 0 : i32
    %sign3A_107 = arith.cmpi slt, %add3A_100, %sign3A_106 : i32
    %sign3A_108 = arith.extui %sign3A_107 : i1 to i32
    %sign3A_109 = arith.subi %sign3A_105, %sign3A_108 : i32
    %sign3A_110 = arith.constant 0 : i32
    %sign3A_111 = arith.cmpi sgt, %jit3A_101, %sign3A_110 : i32
    %sign3A_112 = arith.extui %sign3A_111 : i1 to i32
    %sign3A_113 = arith.constant 0 : i32
    %sign3A_114 = arith.cmpi slt, %jit3A_101, %sign3A_113 : i32
    %sign3A_115 = arith.extui %sign3A_114 : i1 to i32
    %sign3A_116 = arith.subi %sign3A_112, %sign3A_115 : i32
    %ne3A_117 = arith.cmpi ne, %sign3A_109, %sign3A_116 : i32
    %rem3A_118 = arith.remsi %add3A_100, %jit3A_101 : i32
    %ne3A_119 = arith.constant 0 : i32
    %ne3A_120 = arith.cmpi ne, %rem3A_118, %ne3A_119 : i32
    %and3A_121 = arith.andi %ne3A_117, %ne3A_120 : i1
    %sub3A_122 = arith.constant 1 : i32
    %sub3A_123 = arith.subi %div3A_102, %sub3A_122 : i32
    %select_n3A_124 = arith.select %and3A_121, %sub3A_123, %div3A_102 : i32
    %rem3A_125 = arith.constant 8 : i32
    %rem3A_126 = arith.remsi %add3A_100, %rem3A_125 : i32
    %dma_start3A_127 = arith.constant 1 : i32
    %dma_start3A_128 = arith.constant 1 : i32
    %dma_start3A_129 = arith.constant 0 : i32
    %dma_start3A_130 = arith.constant 0 : i32
    %dma_start3A_131 = tpu.memref_slice %arg6[%dma_start3A_127, %dma_start3A_129, %dma_start3A_130] : memref<2x8x128xi32, #tpu.memory_space<vmem>> -> memref<1x8x128xi32, #tpu.memory_space<vmem>>
    %dma_start3A_132 = tpu.memref_squeeze %dma_start3A_131 : memref<1x8x128xi32, #tpu.memory_space<vmem>> -> memref<8x128xi32, #tpu.memory_space<vmem>>
    %dma_start3A_133 = arith.constant 0 : i32
    %dma_start3A_134 = tpu.memref_slice %arg2[%select_n3A_124, %multiple_of3A_30, %rem3A_126, %dma_start3A_133] : memref<25x128x8x128xi32, #tpu.memory_space<hbm>> -> memref<1x8x1x128xi32, #tpu.memory_space<hbm>>
    %dma_start3A_135 = tpu.memref_squeeze %dma_start3A_134 : memref<1x8x1x128xi32, #tpu.memory_space<hbm>> -> memref<8x128xi32, #tpu.memory_space<hbm>>
    %dma_start3A_136 = tpu.memref_slice %arg8[%dma_start3A_128] : memref<2x!tpu.dma_semaphore, #tpu.memory_space<semaphore_mem>> -> memref<1x!tpu.dma_semaphore, #tpu.memory_space<semaphore_mem>>
    %dma_start3A_137 = tpu.memref_squeeze %dma_start3A_136 : memref<1x!tpu.dma_semaphore, #tpu.memory_space<semaphore_mem>> -> memref<!tpu.dma_semaphore, #tpu.memory_space<semaphore_mem>>
    %dma_start3A_138 = arith.constant 0 : i32
    %dma_start3A_139 = arith.constant 0 : i32
    %dma_start3A_140 = tpu.memref_slice %arg6[%dma_start3A_127, %dma_start3A_138, %dma_start3A_139] : memref<2x8x128xi32, #tpu.memory_space<vmem>> -> memref<1x8x128xi32, #tpu.memory_space<vmem>>
    %dma_start3A_141 = tpu.memref_squeeze %dma_start3A_140 : memref<1x8x128xi32, #tpu.memory_space<vmem>> -> memref<8x128xi32, #tpu.memory_space<vmem>>
    %dma_start3A_142 = arith.constant 0 : i32
    %dma_start3A_143 = tpu.memref_slice %arg2[%select_n3A_124, %multiple_of3A_30, %rem3A_126, %dma_start3A_142] : memref<25x128x8x128xi32, #tpu.memory_space<hbm>> -> memref<1x8x1x128xi32, #tpu.memory_space<hbm>>
    %dma_start3A_144 = tpu.memref_squeeze %dma_start3A_143 : memref<1x8x1x128xi32, #tpu.memory_space<hbm>> -> memref<8x128xi32, #tpu.memory_space<hbm>>
    tpu.enqueue_dma source(%dma_start3A_144 : memref<8x128xi32, #tpu.memory_space<hbm>>) target(%dma_start3A_141 : memref<8x128xi32, #tpu.memory_space<vmem>>) target_semaphore(%dma_start3A_137 : memref<!tpu.dma_semaphore, #tpu.memory_space<semaphore_mem>>)
    %scan3A = arith.constant 0 : i32
    %scan3A_145 = arith.constant 0 : i32
    %scan3A_146 = arith.constant 100 : i32
    %scan3A_147 = arith.addi %scan3A_145, %scan3A_146 : i32
    %scan3A_148 = arith.constant 1 : i32
    scf.for %scan3A_187 = %scan3A_145 to %scan3A_147 step %scan3A_148  : i32 {
      %rem3A_188 = arith.constant 2 : i32
      %rem3A_189 = arith.remsi %scan3A_187, %rem3A_188 : i32
      %dma_wait3A_190 = arith.constant 0 : i32
      %dma_wait3A_191 = arith.constant 0 : i32
      %dma_wait3A_192 = arith.constant 0 : i32
      %dma_wait3A_193 = arith.constant 0 : i32
      %dma_wait3A_194 = tpu.memref_slice %arg6[%rem3A_189, %dma_wait3A_192, %dma_wait3A_193] : memref<2x8x128xi32, #tpu.memory_space<vmem>> -> memref<1x8x128xi32, #tpu.memory_space<vmem>>
      %dma_wait3A_195 = tpu.memref_squeeze %dma_wait3A_194 : memref<1x8x128xi32, #tpu.memory_space<vmem>> -> memref<8x128xi32, #tpu.memory_space<vmem>>
      %dma_wait3A_196 = arith.constant 0 : i32
      %dma_wait3A_197 = arith.constant 0 : i32
      %dma_wait3A_198 = tpu.memref_slice %arg2[%dma_wait3A_190, %dma_wait3A_196, %dma_wait3A_191, %dma_wait3A_197] : memref<25x128x8x128xi32, #tpu.memory_space<hbm>> -> memref<1x8x1x128xi32, #tpu.memory_space<hbm>>
      %dma_wait3A_199 = tpu.memref_squeeze %dma_wait3A_198 : memref<1x8x1x128xi32, #tpu.memory_space<hbm>> -> memref<8x128xi32, #tpu.memory_space<hbm>>
      %dma_wait3A_200 = tpu.memref_slice %arg8[%rem3A_189] : memref<2x!tpu.dma_semaphore, #tpu.memory_space<semaphore_mem>> -> memref<1x!tpu.dma_semaphore, #tpu.memory_space<semaphore_mem>>
      %dma_wait3A_201 = tpu.memref_squeeze %dma_wait3A_200 : memref<1x!tpu.dma_semaphore, #tpu.memory_space<semaphore_mem>> -> memref<!tpu.dma_semaphore, #tpu.memory_space<semaphore_mem>>
      %dma_wait3A_202 = arith.constant 0 : i32
      %dma_wait3A_203 = arith.constant 0 : i32
      %dma_wait3A_204 = tpu.memref_slice %arg6[%rem3A_189, %dma_wait3A_202, %dma_wait3A_203] : memref<2x8x128xi32, #tpu.memory_space<vmem>> -> memref<1x8x128xi32, #tpu.memory_space<vmem>>
      %dma_wait3A_205 = tpu.memref_squeeze %dma_wait3A_204 : memref<1x8x128xi32, #tpu.memory_space<vmem>> -> memref<8x128xi32, #tpu.memory_space<vmem>>
      %dma_wait3A_206 = arith.constant 0 : i32
      %dma_wait3A_207 = arith.constant 0 : i32
      %dma_wait3A_208 = tpu.memref_slice %arg2[%dma_wait3A_190, %dma_wait3A_206, %dma_wait3A_191, %dma_wait3A_207] : memref<25x128x8x128xi32, #tpu.memory_space<hbm>> -> memref<1x8x1x128xi32, #tpu.memory_space<hbm>>
      %dma_wait3A_209 = tpu.memref_squeeze %dma_wait3A_208 : memref<1x8x1x128xi32, #tpu.memory_space<hbm>> -> memref<8x128xi32, #tpu.memory_space<hbm>>
      tpu.wait_dma2 semaphore(%dma_wait3A_201 : memref<!tpu.dma_semaphore, #tpu.memory_space<semaphore_mem>>) src(%dma_wait3A_209 : memref<8x128xi32, #tpu.memory_space<hbm>>) dst(%dma_wait3A_205 : memref<8x128xi32, #tpu.memory_space<vmem>>)
      %ge3A = arith.constant 2 : i32
      %ge3A_210 = arith.cmpi sge, %scan3A_187, %ge3A : i32
      %convert_element_type3A = arith.extui %ge3A_210 : i1 to i32
      %cond3A = arith.constant 0 : i32
      %cond3A_211 = arith.cmpi ne, %convert_element_type3A, %cond3A : i32
      scf.if %cond3A_211 {
        %dma_wait3A_238 = arith.constant 0 : i32
        %dma_wait3A_239 = arith.constant 0 : i32
        %dma_wait3A_240 = arith.constant 0 : i32
        %dma_wait3A_241 = tpu.memref_slice %arg7[%rem3A_189, %dma_wait3A_239, %dma_wait3A_240] : memref<2x32x1024xf32, #tpu.memory_space<vmem>> -> memref<1x32x1024xf32, #tpu.memory_space<vmem>>
        %dma_wait3A_242 = tpu.memref_squeeze %dma_wait3A_241 : memref<1x32x1024xf32, #tpu.memory_space<vmem>> -> memref<32x1024xf32, #tpu.memory_space<vmem>>
        %dma_wait3A_243 = arith.constant 0 : i32
        %dma_wait3A_244 = tpu.memref_slice %arg4[%dma_wait3A_238, %dma_wait3A_243, %multiple_of3A] : memref<200x32x16384xf32, #tpu.memory_space<hbm>> -> memref<1x32x1024xf32, #tpu.memory_space<hbm>>
        %dma_wait3A_245 = tpu.memref_squeeze %dma_wait3A_244 : memref<1x32x1024xf32, #tpu.memory_space<hbm>> -> memref<32x1024xf32, #tpu.memory_space<hbm>>
        %dma_wait3A_246 = tpu.memref_slice %arg9[%rem3A_189] : memref<2x!tpu.dma_semaphore, #tpu.memory_space<semaphore_mem>> -> memref<1x!tpu.dma_semaphore, #tpu.memory_space<semaphore_mem>>
        %dma_wait3A_247 = tpu.memref_squeeze %dma_wait3A_246 : memref<1x!tpu.dma_semaphore, #tpu.memory_space<semaphore_mem>> -> memref<!tpu.dma_semaphore, #tpu.memory_space<semaphore_mem>>
        %dma_wait3A_248 = arith.constant 0 : i32
        %dma_wait3A_249 = tpu.memref_slice %arg4[%dma_wait3A_238, %dma_wait3A_248, %multiple_of3A] : memref<200x32x16384xf32, #tpu.memory_space<hbm>> -> memref<1x32x1024xf32, #tpu.memory_space<hbm>>
        %dma_wait3A_250 = tpu.memref_squeeze %dma_wait3A_249 : memref<1x32x1024xf32, #tpu.memory_space<hbm>> -> memref<32x1024xf32, #tpu.memory_space<hbm>>
        %dma_wait3A_251 = arith.constant 0 : i32
        %dma_wait3A_252 = arith.constant 0 : i32
        %dma_wait3A_253 = tpu.memref_slice %arg7[%rem3A_189, %dma_wait3A_251, %dma_wait3A_252] : memref<2x32x1024xf32, #tpu.memory_space<vmem>> -> memref<1x32x1024xf32, #tpu.memory_space<vmem>>
        %dma_wait3A_254 = tpu.memref_squeeze %dma_wait3A_253 : memref<1x32x1024xf32, #tpu.memory_space<vmem>> -> memref<32x1024xf32, #tpu.memory_space<vmem>>
        tpu.wait_dma2 semaphore(%dma_wait3A_247 : memref<!tpu.dma_semaphore, #tpu.memory_space<semaphore_mem>>) src(%dma_wait3A_254 : memref<32x1024xf32, #tpu.memory_space<vmem>>) dst(%dma_wait3A_250 : memref<32x1024xf32, #tpu.memory_space<hbm>>)
      } else {
      }
      %parallel_loop3A = arith.constant 0 : i32
      %parallel_loop3A_212 = arith.constant 64 : i32
      %parallel_loop3A_213 = arith.constant 1 : i32
      scf.for %parallel_loop3A_238 = %parallel_loop3A to %parallel_loop3A_212 step %parallel_loop3A_213  : i32 {
        %parallel_loop3A_239 = arith.constant 8 : i32
        %parallel_loop3A_240 = arith.divsi %parallel_loop3A_238, %parallel_loop3A_239 : i32
        %parallel_loop3A_241 = arith.constant 0 : i32
        %parallel_loop3A_242 = arith.cmpi sgt, %parallel_loop3A_238, %parallel_loop3A_241 : i32
        %parallel_loop3A_243 = arith.extui %parallel_loop3A_242 : i1 to i32
        %parallel_loop3A_244 = arith.constant 0 : i32
        %parallel_loop3A_245 = arith.cmpi slt, %parallel_loop3A_238, %parallel_loop3A_244 : i32
        %parallel_loop3A_246 = arith.extui %parallel_loop3A_245 : i1 to i32
        %parallel_loop3A_247 = arith.subi %parallel_loop3A_243, %parallel_loop3A_246 : i32
        %parallel_loop3A_248 = arith.constant 0 : i32
        %parallel_loop3A_249 = arith.cmpi sgt, %parallel_loop3A_239, %parallel_loop3A_248 : i32
        %parallel_loop3A_250 = arith.extui %parallel_loop3A_249 : i1 to i32
        %parallel_loop3A_251 = arith.constant 0 : i32
        %parallel_loop3A_252 = arith.cmpi slt, %parallel_loop3A_239, %parallel_loop3A_251 : i32
        %parallel_loop3A_253 = arith.extui %parallel_loop3A_252 : i1 to i32
        %parallel_loop3A_254 = arith.subi %parallel_loop3A_250, %parallel_loop3A_253 : i32
        %parallel_loop3A_255 = arith.cmpi ne, %parallel_loop3A_247, %parallel_loop3A_254 : i32
        %parallel_loop3A_256 = arith.remsi %parallel_loop3A_238, %parallel_loop3A_239 : i32
        %parallel_loop3A_257 = arith.constant 0 : i32
        %parallel_loop3A_258 = arith.cmpi ne, %parallel_loop3A_256, %parallel_loop3A_257 : i32
        %parallel_loop3A_259 = arith.andi %parallel_loop3A_255, %parallel_loop3A_258 : i1
        %parallel_loop3A_260 = arith.constant 1 : i32
        %parallel_loop3A_261 = arith.subi %parallel_loop3A_240, %parallel_loop3A_260 : i32
        %parallel_loop3A_262 = arith.select %parallel_loop3A_259, %parallel_loop3A_261, %parallel_loop3A_240 : i32
        %parallel_loop3A_263 = arith.constant 8 : i32
        %parallel_loop3A_264 = arith.remsi %parallel_loop3A_238, %parallel_loop3A_263 : i32
        %parallel_loop3A_265 = arith.constant 16 : i32
        %parallel_loop3A_266 = arith.muli %parallel_loop3A_264, %parallel_loop3A_265 : i32
        %parallel_loop3A_267 = arith.index_cast %rem3A_189 : i32 to index
        %parallel_loop3A_268 = arith.index_cast %parallel_loop3A_262 : i32 to index
        %parallel_loop3A_269 = arith.index_cast %parallel_loop3A_266 : i32 to index
        %parallel_loop3A_270 = tpu.vector_load %arg6[%parallel_loop3A_267, %parallel_loop3A_268, %parallel_loop3A_269] {strides = array<i32>} : memref<2x8x128xi32, #tpu.memory_space<vmem>>, vector<16xi32>,
        %parallel_loop3A_271 = arith.constant 0 : i32
        %parallel_loop3A_272 = vector.broadcast %parallel_loop3A_271 : i32 to vector<16xi32>
        %parallel_loop3A_273 = arith.addi %parallel_loop3A_270, %parallel_loop3A_272 : vector<16xi32>
        %parallel_loop3A_274 = tpu.vector_load_idx %arg5[%parallel_loop3A_273] : memref<512xf32, #tpu.memory_space<vmem>>[vector<16xi32>], vector<16xf32>,
        %parallel_loop3A_275 = arith.constant 16 : i32
        %parallel_loop3A_276 = arith.muli %parallel_loop3A_238, %parallel_loop3A_275 : i32
        %parallel_loop3A_277 = arith.constant 0 : i32
        %parallel_loop3A_278 = arith.index_cast %rem3A_189 : i32 to index
        %parallel_loop3A_279 = arith.index_cast %parallel_loop3A_277 : i32 to index
        %parallel_loop3A_280 = arith.index_cast %parallel_loop3A_276 : i32 to index
        %parallel_loop3A_281 = tpu.vector_load %arg7[%parallel_loop3A_278, %parallel_loop3A_279, %parallel_loop3A_280] {strides = array<i32>} : memref<2x32x1024xf32, #tpu.memory_space<vmem>>, vector<16xf32>,
        tpu.vector_store %arg7[%parallel_loop3A_278, %parallel_loop3A_279, %parallel_loop3A_280], %parallel_loop3A_274 {strides = array<i32>} : memref<2x32x1024xf32, #tpu.memory_space<vmem>>, vector<16xf32>,
        %parallel_loop3A_282 = arith.constant 16 : i32
        %parallel_loop3A_283 = vector.broadcast %parallel_loop3A_282 : i32 to vector<16xi32>
        %parallel_loop3A_284 = arith.addi %parallel_loop3A_270, %parallel_loop3A_283 : vector<16xi32>
        %parallel_loop3A_285 = tpu.vector_load_idx %arg5[%parallel_loop3A_284] : memref<512xf32, #tpu.memory_space<vmem>>[vector<16xi32>], vector<16xf32>,
        %parallel_loop3A_286 = arith.constant 16 : i32
        %parallel_loop3A_287 = arith.muli %parallel_loop3A_238, %parallel_loop3A_286 : i32
        %parallel_loop3A_288 = arith.constant 1 : i32
        %parallel_loop3A_289 = arith.index_cast %rem3A_189 : i32 to index
        %parallel_loop3A_290 = arith.index_cast %parallel_loop3A_288 : i32 to index
        %parallel_loop3A_291 = arith.index_cast %parallel_loop3A_287 : i32 to index
        %parallel_loop3A_292 = tpu.vector_load %arg7[%parallel_loop3A_289, %parallel_loop3A_290, %parallel_loop3A_291] {strides = array<i32>} : memref<2x32x1024xf32, #tpu.memory_space<vmem>>, vector<16xf32>,
        tpu.vector_store %arg7[%parallel_loop3A_289, %parallel_loop3A_290, %parallel_loop3A_291], %parallel_loop3A_285 {strides = array<i32>} : memref<2x32x1024xf32, #tpu.memory_space<vmem>>, vector<16xf32>,
        %parallel_loop3A_293 = arith.constant 32 : i32
        %parallel_loop3A_294 = vector.broadcast %parallel_loop3A_293 : i32 to vector<16xi32>
        %parallel_loop3A_295 = arith.addi %parallel_loop3A_270, %parallel_loop3A_294 : vector<16xi32>
        %parallel_loop3A_296 = tpu.vector_load_idx %arg5[%parallel_loop3A_295] : memref<512xf32, #tpu.memory_space<vmem>>[vector<16xi32>], vector<16xf32>,
        %parallel_loop3A_297 = arith.constant 16 : i32
        %parallel_loop3A_298 = arith.muli %parallel_loop3A_238, %parallel_loop3A_297 : i32
        %parallel_loop3A_299 = arith.constant 2 : i32
        %parallel_loop3A_300 = arith.index_cast %rem3A_189 : i32 to index
        %parallel_loop3A_301 = arith.index_cast %parallel_loop3A_299 : i32 to index
        %parallel_loop3A_302 = arith.index_cast %parallel_loop3A_298 : i32 to index
        %parallel_loop3A_303 = tpu.vector_load %arg7[%parallel_loop3A_300, %parallel_loop3A_301, %parallel_loop3A_302] {strides = array<i32>} : memref<2x32x1024xf32, #tpu.memory_space<vmem>>, vector<16xf32>,
        tpu.vector_store %arg7[%parallel_loop3A_300, %parallel_loop3A_301, %parallel_loop3A_302], %parallel_loop3A_296 {strides = array<i32>} : memref<2x32x1024xf32, #tpu.memory_space<vmem>>, vector<16xf32>,
        %parallel_loop3A_304 = arith.constant 48 : i32
        %parallel_loop3A_305 = vector.broadcast %parallel_loop3A_304 : i32 to vector<16xi32>
        %parallel_loop3A_306 = arith.addi %parallel_loop3A_270, %parallel_loop3A_305 : vector<16xi32>
        %parallel_loop3A_307 = tpu.vector_load_idx %arg5[%parallel_loop3A_306] : memref<512xf32, #tpu.memory_space<vmem>>[vector<16xi32>], vector<16xf32>,
        %parallel_loop3A_308 = arith.constant 16 : i32
        %parallel_loop3A_309 = arith.muli %parallel_loop3A_238, %parallel_loop3A_308 : i32
        %parallel_loop3A_310 = arith.constant 3 : i32
        %parallel_loop3A_311 = arith.index_cast %rem3A_189 : i32 to index
        %parallel_loop3A_312 = arith.index_cast %parallel_loop3A_310 : i32 to index
        %parallel_loop3A_313 = arith.index_cast %parallel_loop3A_309 : i32 to index
        %parallel_loop3A_314 = tpu.vector_load %arg7[%parallel_loop3A_311, %parallel_loop3A_312, %parallel_loop3A_313] {strides = array<i32>} : memref<2x32x1024xf32, #tpu.memory_space<vmem>>, vector<16xf32>,
        tpu.vector_store %arg7[%parallel_loop3A_311, %parallel_loop3A_312, %parallel_loop3A_313], %parallel_loop3A_307 {strides = array<i32>} : memref<2x32x1024xf32, #tpu.memory_space<vmem>>, vector<16xf32>,
        %parallel_loop3A_315 = arith.constant 64 : i32
        %parallel_loop3A_316 = vector.broadcast %parallel_loop3A_315 : i32 to vector<16xi32>
        %parallel_loop3A_317 = arith.addi %parallel_loop3A_270, %parallel_loop3A_316 : vector<16xi32>
        %parallel_loop3A_318 = tpu.vector_load_idx %arg5[%parallel_loop3A_317] : memref<512xf32, #tpu.memory_space<vmem>>[vector<16xi32>], vector<16xf32>,
        %parallel_loop3A_319 = arith.constant 16 : i32
        %parallel_loop3A_320 = arith.muli %parallel_loop3A_238, %parallel_loop3A_319 : i32
        %parallel_loop3A_321 = arith.constant 4 : i32
        %parallel_loop3A_322 = arith.index_cast %rem3A_189 : i32 to index
        %parallel_loop3A_323 = arith.index_cast %parallel_loop3A_321 : i32 to index
        %parallel_loop3A_324 = arith.index_cast %parallel_loop3A_320 : i32 to index
        %parallel_loop3A_325 = tpu.vector_load %arg7[%parallel_loop3A_322, %parallel_loop3A_323, %parallel_loop3A_324] {strides = array<i32>} : memref<2x32x1024xf32, #tpu.memory_space<vmem>>, vector<16xf32>,
        tpu.vector_store %arg7[%parallel_loop3A_322, %parallel_loop3A_323, %parallel_loop3A_324], %parallel_loop3A_318 {strides = array<i32>} : memref<2x32x1024xf32, #tpu.memory_space<vmem>>, vector<16xf32>,
        %parallel_loop3A_326 = arith.constant 80 : i32
        %parallel_loop3A_327 = vector.broadcast %parallel_loop3A_326 : i32 to vector<16xi32>
        %parallel_loop3A_328 = arith.addi %parallel_loop3A_270, %parallel_loop3A_327 : vector<16xi32>
        %parallel_loop3A_329 = tpu.vector_load_idx %arg5[%parallel_loop3A_328] : memref<512xf32, #tpu.memory_space<vmem>>[vector<16xi32>], vector<16xf32>,
        %parallel_loop3A_330 = arith.constant 16 : i32
        %parallel_loop3A_331 = arith.muli %parallel_loop3A_238, %parallel_loop3A_330 : i32
        %parallel_loop3A_332 = arith.constant 5 : i32
        %parallel_loop3A_333 = arith.index_cast %rem3A_189 : i32 to index
        %parallel_loop3A_334 = arith.index_cast %parallel_loop3A_332 : i32 to index
        %parallel_loop3A_335 = arith.index_cast %parallel_loop3A_331 : i32 to index
        %parallel_loop3A_336 = tpu.vector_load %arg7[%parallel_loop3A_333, %parallel_loop3A_334, %parallel_loop3A_335] {strides = array<i32>} : memref<2x32x1024xf32, #tpu.memory_space<vmem>>, vector<16xf32>,
        tpu.vector_store %arg7[%parallel_loop3A_333, %parallel_loop3A_334, %parallel_loop3A_335], %parallel_loop3A_329 {strides = array<i32>} : memref<2x32x1024xf32, #tpu.memory_space<vmem>>, vector<16xf32>,
        %parallel_loop3A_337 = arith.constant 96 : i32
        %parallel_loop3A_338 = vector.broadcast %parallel_loop3A_337 : i32 to vector<16xi32>
        %parallel_loop3A_339 = arith.addi %parallel_loop3A_270, %parallel_loop3A_338 : vector<16xi32>
        %parallel_loop3A_340 = tpu.vector_load_idx %arg5[%parallel_loop3A_339] : memref<512xf32, #tpu.memory_space<vmem>>[vector<16xi32>], vector<16xf32>,
        %parallel_loop3A_341 = arith.constant 16 : i32
        %parallel_loop3A_342 = arith.muli %parallel_loop3A_238, %parallel_loop3A_341 : i32
        %parallel_loop3A_343 = arith.constant 6 : i32
        %parallel_loop3A_344 = arith.index_cast %rem3A_189 : i32 to index
        %parallel_loop3A_345 = arith.index_cast %parallel_loop3A_343 : i32 to index
        %parallel_loop3A_346 = arith.index_cast %parallel_loop3A_342 : i32 to index
        %parallel_loop3A_347 = tpu.vector_load %arg7[%parallel_loop3A_344, %parallel_loop3A_345, %parallel_loop3A_346] {strides = array<i32>} : memref<2x32x1024xf32, #tpu.memory_space<vmem>>, vector<16xf32>,
        tpu.vector_store %arg7[%parallel_loop3A_344, %parallel_loop3A_345, %parallel_loop3A_346], %parallel_loop3A_340 {strides = array<i32>} : memref<2x32x1024xf32, #tpu.memory_space<vmem>>, vector<16xf32>,
        %parallel_loop3A_348 = arith.constant 112 : i32
        %parallel_loop3A_349 = vector.broadcast %parallel_loop3A_348 : i32 to vector<16xi32>
        %parallel_loop3A_350 = arith.addi %parallel_loop3A_270, %parallel_loop3A_349 : vector<16xi32>
        %parallel_loop3A_351 = tpu.vector_load_idx %arg5[%parallel_loop3A_350] : memref<512xf32, #tpu.memory_space<vmem>>[vector<16xi32>], vector<16xf32>,
        %parallel_loop3A_352 = arith.constant 16 : i32
        %parallel_loop3A_353 = arith.muli %parallel_loop3A_238, %parallel_loop3A_352 : i32
        %parallel_loop3A_354 = arith.constant 7 : i32
        %parallel_loop3A_355 = arith.index_cast %rem3A_189 : i32 to index
        %parallel_loop3A_356 = arith.index_cast %parallel_loop3A_354 : i32 to index
        %parallel_loop3A_357 = arith.index_cast %parallel_loop3A_353 : i32 to index
        %parallel_loop3A_358 = tpu.vector_load %arg7[%parallel_loop3A_355, %parallel_loop3A_356, %parallel_loop3A_357] {strides = array<i32>} : memref<2x32x1024xf32, #tpu.memory_space<vmem>>, vector<16xf32>,
        tpu.vector_store %arg7[%parallel_loop3A_355, %parallel_loop3A_356, %parallel_loop3A_357], %parallel_loop3A_351 {strides = array<i32>} : memref<2x32x1024xf32, #tpu.memory_space<vmem>>, vector<16xf32>,
        %parallel_loop3A_359 = arith.constant 128 : i32
        %parallel_loop3A_360 = vector.broadcast %parallel_loop3A_359 : i32 to vector<16xi32>
        %parallel_loop3A_361 = arith.addi %parallel_loop3A_270, %parallel_loop3A_360 : vector<16xi32>
        %parallel_loop3A_362 = tpu.vector_load_idx %arg5[%parallel_loop3A_361] : memref<512xf32, #tpu.memory_space<vmem>>[vector<16xi32>], vector<16xf32>,
        %parallel_loop3A_363 = arith.constant 16 : i32
        %parallel_loop3A_364 = arith.muli %parallel_loop3A_238, %parallel_loop3A_363 : i32
        %parallel_loop3A_365 = arith.constant 8 : i32
        %parallel_loop3A_366 = arith.index_cast %rem3A_189 : i32 to index
        %parallel_loop3A_367 = arith.index_cast %parallel_loop3A_365 : i32 to index
        %parallel_loop3A_368 = arith.index_cast %parallel_loop3A_364 : i32 to index
        %parallel_loop3A_369 = tpu.vector_load %arg7[%parallel_loop3A_366, %parallel_loop3A_367, %parallel_loop3A_368] {strides = array<i32>} : memref<2x32x1024xf32, #tpu.memory_space<vmem>>, vector<16xf32>,
        tpu.vector_store %arg7[%parallel_loop3A_366, %parallel_loop3A_367, %parallel_loop3A_368], %parallel_loop3A_362 {strides = array<i32>} : memref<2x32x1024xf32, #tpu.memory_space<vmem>>, vector<16xf32>,
        %parallel_loop3A_370 = arith.constant 144 : i32
        %parallel_loop3A_371 = vector.broadcast %parallel_loop3A_370 : i32 to vector<16xi32>
        %parallel_loop3A_372 = arith.addi %parallel_loop3A_270, %parallel_loop3A_371 : vector<16xi32>
        %parallel_loop3A_373 = tpu.vector_load_idx %arg5[%parallel_loop3A_372] : memref<512xf32, #tpu.memory_space<vmem>>[vector<16xi32>], vector<16xf32>,
        %parallel_loop3A_374 = arith.constant 16 : i32
        %parallel_loop3A_375 = arith.muli %parallel_loop3A_238, %parallel_loop3A_374 : i32
        %parallel_loop3A_376 = arith.constant 9 : i32
        %parallel_loop3A_377 = arith.index_cast %rem3A_189 : i32 to index
        %parallel_loop3A_378 = arith.index_cast %parallel_loop3A_376 : i32 to index
        %parallel_loop3A_379 = arith.index_cast %parallel_loop3A_375 : i32 to index
        %parallel_loop3A_380 = tpu.vector_load %arg7[%parallel_loop3A_377, %parallel_loop3A_378, %parallel_loop3A_379] {strides = array<i32>} : memref<2x32x1024xf32, #tpu.memory_space<vmem>>, vector<16xf32>,
        tpu.vector_store %arg7[%parallel_loop3A_377, %parallel_loop3A_378, %parallel_loop3A_379], %parallel_loop3A_373 {strides = array<i32>} : memref<2x32x1024xf32, #tpu.memory_space<vmem>>, vector<16xf32>,
        %parallel_loop3A_381 = arith.constant 160 : i32
        %parallel_loop3A_382 = vector.broadcast %parallel_loop3A_381 : i32 to vector<16xi32>
        %parallel_loop3A_383 = arith.addi %parallel_loop3A_270, %parallel_loop3A_382 : vector<16xi32>
        %parallel_loop3A_384 = tpu.vector_load_idx %arg5[%parallel_loop3A_383] : memref<512xf32, #tpu.memory_space<vmem>>[vector<16xi32>], vector<16xf32>,
        %parallel_loop3A_385 = arith.constant 16 : i32
        %parallel_loop3A_386 = arith.muli %parallel_loop3A_238, %parallel_loop3A_385 : i32
        %parallel_loop3A_387 = arith.constant 10 : i32
        %parallel_loop3A_388 = arith.index_cast %rem3A_189 : i32 to index
        %parallel_loop3A_389 = arith.index_cast %parallel_loop3A_387 : i32 to index
        %parallel_loop3A_390 = arith.index_cast %parallel_loop3A_386 : i32 to index
        %parallel_loop3A_391 = tpu.vector_load %arg7[%parallel_loop3A_388, %parallel_loop3A_389, %parallel_loop3A_390] {strides = array<i32>} : memref<2x32x1024xf32, #tpu.memory_space<vmem>>, vector<16xf32>,
        tpu.vector_store %arg7[%parallel_loop3A_388, %parallel_loop3A_389, %parallel_loop3A_390], %parallel_loop3A_384 {strides = array<i32>} : memref<2x32x1024xf32, #tpu.memory_space<vmem>>, vector<16xf32>,
        %parallel_loop3A_392 = arith.constant 176 : i32
        %parallel_loop3A_393 = vector.broadcast %parallel_loop3A_392 : i32 to vector<16xi32>
        %parallel_loop3A_394 = arith.addi %parallel_loop3A_270, %parallel_loop3A_393 : vector<16xi32>
        %parallel_loop3A_395 = tpu.vector_load_idx %arg5[%parallel_loop3A_394] : memref<512xf32, #tpu.memory_space<vmem>>[vector<16xi32>], vector<16xf32>,
        %parallel_loop3A_396 = arith.constant 16 : i32
        %parallel_loop3A_397 = arith.muli %parallel_loop3A_238, %parallel_loop3A_396 : i32
        %parallel_loop3A_398 = arith.constant 11 : i32
        %parallel_loop3A_399 = arith.index_cast %rem3A_189 : i32 to index
        %parallel_loop3A_400 = arith.index_cast %parallel_loop3A_398 : i32 to index
        %parallel_loop3A_401 = arith.index_cast %parallel_loop3A_397 : i32 to index
        %parallel_loop3A_402 = tpu.vector_load %arg7[%parallel_loop3A_399, %parallel_loop3A_400, %parallel_loop3A_401] {strides = array<i32>} : memref<2x32x1024xf32, #tpu.memory_space<vmem>>, vector<16xf32>,
        tpu.vector_store %arg7[%parallel_loop3A_399, %parallel_loop3A_400, %parallel_loop3A_401], %parallel_loop3A_395 {strides = array<i32>} : memref<2x32x1024xf32, #tpu.memory_space<vmem>>, vector<16xf32>,
        %parallel_loop3A_403 = arith.constant 192 : i32
        %parallel_loop3A_404 = vector.broadcast %parallel_loop3A_403 : i32 to vector<16xi32>
        %parallel_loop3A_405 = arith.addi %parallel_loop3A_270, %parallel_loop3A_404 : vector<16xi32>
        %parallel_loop3A_406 = tpu.vector_load_idx %arg5[%parallel_loop3A_405] : memref<512xf32, #tpu.memory_space<vmem>>[vector<16xi32>], vector<16xf32>,
        %parallel_loop3A_407 = arith.constant 16 : i32
        %parallel_loop3A_408 = arith.muli %parallel_loop3A_238, %parallel_loop3A_407 : i32
        %parallel_loop3A_409 = arith.constant 12 : i32
        %parallel_loop3A_410 = arith.index_cast %rem3A_189 : i32 to index
        %parallel_loop3A_411 = arith.index_cast %parallel_loop3A_409 : i32 to index
        %parallel_loop3A_412 = arith.index_cast %parallel_loop3A_408 : i32 to index
        %parallel_loop3A_413 = tpu.vector_load %arg7[%parallel_loop3A_410, %parallel_loop3A_411, %parallel_loop3A_412] {strides = array<i32>} : memref<2x32x1024xf32, #tpu.memory_space<vmem>>, vector<16xf32>,
        tpu.vector_store %arg7[%parallel_loop3A_410, %parallel_loop3A_411, %parallel_loop3A_412], %parallel_loop3A_406 {strides = array<i32>} : memref<2x32x1024xf32, #tpu.memory_space<vmem>>, vector<16xf32>,
        %parallel_loop3A_414 = arith.constant 208 : i32
        %parallel_loop3A_415 = vector.broadcast %parallel_loop3A_414 : i32 to vector<16xi32>
        %parallel_loop3A_416 = arith.addi %parallel_loop3A_270, %parallel_loop3A_415 : vector<16xi32>
        %parallel_loop3A_417 = tpu.vector_load_idx %arg5[%parallel_loop3A_416] : memref<512xf32, #tpu.memory_space<vmem>>[vector<16xi32>], vector<16xf32>,
        %parallel_loop3A_418 = arith.constant 16 : i32
        %parallel_loop3A_419 = arith.muli %parallel_loop3A_238, %parallel_loop3A_418 : i32
        %parallel_loop3A_420 = arith.constant 13 : i32
        %parallel_loop3A_421 = arith.index_cast %rem3A_189 : i32 to index
        %parallel_loop3A_422 = arith.index_cast %parallel_loop3A_420 : i32 to index
        %parallel_loop3A_423 = arith.index_cast %parallel_loop3A_419 : i32 to index
        %parallel_loop3A_424 = tpu.vector_load %arg7[%parallel_loop3A_421, %parallel_loop3A_422, %parallel_loop3A_423] {strides = array<i32>} : memref<2x32x1024xf32, #tpu.memory_space<vmem>>, vector<16xf32>,
        tpu.vector_store %arg7[%parallel_loop3A_421, %parallel_loop3A_422, %parallel_loop3A_423], %parallel_loop3A_417 {strides = array<i32>} : memref<2x32x1024xf32, #tpu.memory_space<vmem>>, vector<16xf32>,
        %parallel_loop3A_425 = arith.constant 224 : i32
        %parallel_loop3A_426 = vector.broadcast %parallel_loop3A_425 : i32 to vector<16xi32>
        %parallel_loop3A_427 = arith.addi %parallel_loop3A_270, %parallel_loop3A_426 : vector<16xi32>
        %parallel_loop3A_428 = tpu.vector_load_idx %arg5[%parallel_loop3A_427] : memref<512xf32, #tpu.memory_space<vmem>>[vector<16xi32>], vector<16xf32>,
        %parallel_loop3A_429 = arith.constant 16 : i32
        %parallel_loop3A_430 = arith.muli %parallel_loop3A_238, %parallel_loop3A_429 : i32
        %parallel_loop3A_431 = arith.constant 14 : i32
        %parallel_loop3A_432 = arith.index_cast %rem3A_189 : i32 to index
        %parallel_loop3A_433 = arith.index_cast %parallel_loop3A_431 : i32 to index
        %parallel_loop3A_434 = arith.index_cast %parallel_loop3A_430 : i32 to index
        %parallel_loop3A_435 = tpu.vector_load %arg7[%parallel_loop3A_432, %parallel_loop3A_433, %parallel_loop3A_434] {strides = array<i32>} : memref<2x32x1024xf32, #tpu.memory_space<vmem>>, vector<16xf32>,
        tpu.vector_store %arg7[%parallel_loop3A_432, %parallel_loop3A_433, %parallel_loop3A_434], %parallel_loop3A_428 {strides = array<i32>} : memref<2x32x1024xf32, #tpu.memory_space<vmem>>, vector<16xf32>,
        %parallel_loop3A_436 = arith.constant 240 : i32
        %parallel_loop3A_437 = vector.broadcast %parallel_loop3A_436 : i32 to vector<16xi32>
        %parallel_loop3A_438 = arith.addi %parallel_loop3A_270, %parallel_loop3A_437 : vector<16xi32>
        %parallel_loop3A_439 = tpu.vector_load_idx %arg5[%parallel_loop3A_438] : memref<512xf32, #tpu.memory_space<vmem>>[vector<16xi32>], vector<16xf32>,
        %parallel_loop3A_440 = arith.constant 16 : i32
        %parallel_loop3A_441 = arith.muli %parallel_loop3A_238, %parallel_loop3A_440 : i32
        %parallel_loop3A_442 = arith.constant 15 : i32
        %parallel_loop3A_443 = arith.index_cast %rem3A_189 : i32 to index
        %parallel_loop3A_444 = arith.index_cast %parallel_loop3A_442 : i32 to index
        %parallel_loop3A_445 = arith.index_cast %parallel_loop3A_441 : i32 to index
        %parallel_loop3A_446 = tpu.vector_load %arg7[%parallel_loop3A_443, %parallel_loop3A_444, %parallel_loop3A_445] {strides = array<i32>} : memref<2x32x1024xf32, #tpu.memory_space<vmem>>, vector<16xf32>,
        tpu.vector_store %arg7[%parallel_loop3A_443, %parallel_loop3A_444, %parallel_loop3A_445], %parallel_loop3A_439 {strides = array<i32>} : memref<2x32x1024xf32, #tpu.memory_space<vmem>>, vector<16xf32>,
        %parallel_loop3A_447 = arith.constant 256 : i32
        %parallel_loop3A_448 = vector.broadcast %parallel_loop3A_447 : i32 to vector<16xi32>
        %parallel_loop3A_449 = arith.addi %parallel_loop3A_270, %parallel_loop3A_448 : vector<16xi32>
        %parallel_loop3A_450 = tpu.vector_load_idx %arg5[%parallel_loop3A_449] : memref<512xf32, #tpu.memory_space<vmem>>[vector<16xi32>], vector<16xf32>,
        %parallel_loop3A_451 = arith.constant 16 : i32
        %parallel_loop3A_452 = arith.muli %parallel_loop3A_238, %parallel_loop3A_451 : i32
        %parallel_loop3A_453 = arith.constant 16 : i32
        %parallel_loop3A_454 = arith.index_cast %rem3A_189 : i32 to index
        %parallel_loop3A_455 = arith.index_cast %parallel_loop3A_453 : i32 to index
        %parallel_loop3A_456 = arith.index_cast %parallel_loop3A_452 : i32 to index
        %parallel_loop3A_457 = tpu.vector_load %arg7[%parallel_loop3A_454, %parallel_loop3A_455, %parallel_loop3A_456] {strides = array<i32>} : memref<2x32x1024xf32, #tpu.memory_space<vmem>>, vector<16xf32>,
        tpu.vector_store %arg7[%parallel_loop3A_454, %parallel_loop3A_455, %parallel_loop3A_456], %parallel_loop3A_450 {strides = array<i32>} : memref<2x32x1024xf32, #tpu.memory_space<vmem>>, vector<16xf32>,
        %parallel_loop3A_458 = arith.constant 272 : i32
        %parallel_loop3A_459 = vector.broadcast %parallel_loop3A_458 : i32 to vector<16xi32>
        %parallel_loop3A_460 = arith.addi %parallel_loop3A_270, %parallel_loop3A_459 : vector<16xi32>
        %parallel_loop3A_461 = tpu.vector_load_idx %arg5[%parallel_loop3A_460] : memref<512xf32, #tpu.memory_space<vmem>>[vector<16xi32>], vector<16xf32>,
        %parallel_loop3A_462 = arith.constant 16 : i32
        %parallel_loop3A_463 = arith.muli %parallel_loop3A_238, %parallel_loop3A_462 : i32
        %parallel_loop3A_464 = arith.constant 17 : i32
        %parallel_loop3A_465 = arith.index_cast %rem3A_189 : i32 to index
        %parallel_loop3A_466 = arith.index_cast %parallel_loop3A_464 : i32 to index
        %parallel_loop3A_467 = arith.index_cast %parallel_loop3A_463 : i32 to index
        %parallel_loop3A_468 = tpu.vector_load %arg7[%parallel_loop3A_465, %parallel_loop3A_466, %parallel_loop3A_467] {strides = array<i32>} : memref<2x32x1024xf32, #tpu.memory_space<vmem>>, vector<16xf32>,
        tpu.vector_store %arg7[%parallel_loop3A_465, %parallel_loop3A_466, %parallel_loop3A_467], %parallel_loop3A_461 {strides = array<i32>} : memref<2x32x1024xf32, #tpu.memory_space<vmem>>, vector<16xf32>,
        %parallel_loop3A_469 = arith.constant 288 : i32
        %parallel_loop3A_470 = vector.broadcast %parallel_loop3A_469 : i32 to vector<16xi32>
        %parallel_loop3A_471 = arith.addi %parallel_loop3A_270, %parallel_loop3A_470 : vector<16xi32>
        %parallel_loop3A_472 = tpu.vector_load_idx %arg5[%parallel_loop3A_471] : memref<512xf32, #tpu.memory_space<vmem>>[vector<16xi32>], vector<16xf32>,
        %parallel_loop3A_473 = arith.constant 16 : i32
        %parallel_loop3A_474 = arith.muli %parallel_loop3A_238, %parallel_loop3A_473 : i32
        %parallel_loop3A_475 = arith.constant 18 : i32
        %parallel_loop3A_476 = arith.index_cast %rem3A_189 : i32 to index
        %parallel_loop3A_477 = arith.index_cast %parallel_loop3A_475 : i32 to index
        %parallel_loop3A_478 = arith.index_cast %parallel_loop3A_474 : i32 to index
        %parallel_loop3A_479 = tpu.vector_load %arg7[%parallel_loop3A_476, %parallel_loop3A_477, %parallel_loop3A_478] {strides = array<i32>} : memref<2x32x1024xf32, #tpu.memory_space<vmem>>, vector<16xf32>,
        tpu.vector_store %arg7[%parallel_loop3A_476, %parallel_loop3A_477, %parallel_loop3A_478], %parallel_loop3A_472 {strides = array<i32>} : memref<2x32x1024xf32, #tpu.memory_space<vmem>>, vector<16xf32>,
        %parallel_loop3A_480 = arith.constant 304 : i32
        %parallel_loop3A_481 = vector.broadcast %parallel_loop3A_480 : i32 to vector<16xi32>
        %parallel_loop3A_482 = arith.addi %parallel_loop3A_270, %parallel_loop3A_481 : vector<16xi32>
        %parallel_loop3A_483 = tpu.vector_load_idx %arg5[%parallel_loop3A_482] : memref<512xf32, #tpu.memory_space<vmem>>[vector<16xi32>], vector<16xf32>,
        %parallel_loop3A_484 = arith.constant 16 : i32
        %parallel_loop3A_485 = arith.muli %parallel_loop3A_238, %parallel_loop3A_484 : i32
        %parallel_loop3A_486 = arith.constant 19 : i32
        %parallel_loop3A_487 = arith.index_cast %rem3A_189 : i32 to index
        %parallel_loop3A_488 = arith.index_cast %parallel_loop3A_486 : i32 to index
        %parallel_loop3A_489 = arith.index_cast %parallel_loop3A_485 : i32 to index
        %parallel_loop3A_490 = tpu.vector_load %arg7[%parallel_loop3A_487, %parallel_loop3A_488, %parallel_loop3A_489] {strides = array<i32>} : memref<2x32x1024xf32, #tpu.memory_space<vmem>>, vector<16xf32>,
        tpu.vector_store %arg7[%parallel_loop3A_487, %parallel_loop3A_488, %parallel_loop3A_489], %parallel_loop3A_483 {strides = array<i32>} : memref<2x32x1024xf32, #tpu.memory_space<vmem>>, vector<16xf32>,
        %parallel_loop3A_491 = arith.constant 320 : i32
        %parallel_loop3A_492 = vector.broadcast %parallel_loop3A_491 : i32 to vector<16xi32>
        %parallel_loop3A_493 = arith.addi %parallel_loop3A_270, %parallel_loop3A_492 : vector<16xi32>
        %parallel_loop3A_494 = tpu.vector_load_idx %arg5[%parallel_loop3A_493] : memref<512xf32, #tpu.memory_space<vmem>>[vector<16xi32>], vector<16xf32>,
        %parallel_loop3A_495 = arith.constant 16 : i32
        %parallel_loop3A_496 = arith.muli %parallel_loop3A_238, %parallel_loop3A_495 : i32
        %parallel_loop3A_497 = arith.constant 20 : i32
        %parallel_loop3A_498 = arith.index_cast %rem3A_189 : i32 to index
        %parallel_loop3A_499 = arith.index_cast %parallel_loop3A_497 : i32 to index
        %parallel_loop3A_500 = arith.index_cast %parallel_loop3A_496 : i32 to index
        %parallel_loop3A_501 = tpu.vector_load %arg7[%parallel_loop3A_498, %parallel_loop3A_499, %parallel_loop3A_500] {strides = array<i32>} : memref<2x32x1024xf32, #tpu.memory_space<vmem>>, vector<16xf32>,
        tpu.vector_store %arg7[%parallel_loop3A_498, %parallel_loop3A_499, %parallel_loop3A_500], %parallel_loop3A_494 {strides = array<i32>} : memref<2x32x1024xf32, #tpu.memory_space<vmem>>, vector<16xf32>,
        %parallel_loop3A_502 = arith.constant 336 : i32
        %parallel_loop3A_503 = vector.broadcast %parallel_loop3A_502 : i32 to vector<16xi32>
        %parallel_loop3A_504 = arith.addi %parallel_loop3A_270, %parallel_loop3A_503 : vector<16xi32>
        %parallel_loop3A_505 = tpu.vector_load_idx %arg5[%parallel_loop3A_504] : memref<512xf32, #tpu.memory_space<vmem>>[vector<16xi32>], vector<16xf32>,
        %parallel_loop3A_506 = arith.constant 16 : i32
        %parallel_loop3A_507 = arith.muli %parallel_loop3A_238, %parallel_loop3A_506 : i32
        %parallel_loop3A_508 = arith.constant 21 : i32
        %parallel_loop3A_509 = arith.index_cast %rem3A_189 : i32 to index
        %parallel_loop3A_510 = arith.index_cast %parallel_loop3A_508 : i32 to index
        %parallel_loop3A_511 = arith.index_cast %parallel_loop3A_507 : i32 to index
        %parallel_loop3A_512 = tpu.vector_load %arg7[%parallel_loop3A_509, %parallel_loop3A_510, %parallel_loop3A_511] {strides = array<i32>} : memref<2x32x1024xf32, #tpu.memory_space<vmem>>, vector<16xf32>,
        tpu.vector_store %arg7[%parallel_loop3A_509, %parallel_loop3A_510, %parallel_loop3A_511], %parallel_loop3A_505 {strides = array<i32>} : memref<2x32x1024xf32, #tpu.memory_space<vmem>>, vector<16xf32>,
        %parallel_loop3A_513 = arith.constant 352 : i32
        %parallel_loop3A_514 = vector.broadcast %parallel_loop3A_513 : i32 to vector<16xi32>
        %parallel_loop3A_515 = arith.addi %parallel_loop3A_270, %parallel_loop3A_514 : vector<16xi32>
        %parallel_loop3A_516 = tpu.vector_load_idx %arg5[%parallel_loop3A_515] : memref<512xf32, #tpu.memory_space<vmem>>[vector<16xi32>], vector<16xf32>,
        %parallel_loop3A_517 = arith.constant 16 : i32
        %parallel_loop3A_518 = arith.muli %parallel_loop3A_238, %parallel_loop3A_517 : i32
        %parallel_loop3A_519 = arith.constant 22 : i32
        %parallel_loop3A_520 = arith.index_cast %rem3A_189 : i32 to index
        %parallel_loop3A_521 = arith.index_cast %parallel_loop3A_519 : i32 to index
        %parallel_loop3A_522 = arith.index_cast %parallel_loop3A_518 : i32 to index
        %parallel_loop3A_523 = tpu.vector_load %arg7[%parallel_loop3A_520, %parallel_loop3A_521, %parallel_loop3A_522] {strides = array<i32>} : memref<2x32x1024xf32, #tpu.memory_space<vmem>>, vector<16xf32>,
        tpu.vector_store %arg7[%parallel_loop3A_520, %parallel_loop3A_521, %parallel_loop3A_522], %parallel_loop3A_516 {strides = array<i32>} : memref<2x32x1024xf32, #tpu.memory_space<vmem>>, vector<16xf32>,
        %parallel_loop3A_524 = arith.constant 368 : i32
        %parallel_loop3A_525 = vector.broadcast %parallel_loop3A_524 : i32 to vector<16xi32>
        %parallel_loop3A_526 = arith.addi %parallel_loop3A_270, %parallel_loop3A_525 : vector<16xi32>
        %parallel_loop3A_527 = tpu.vector_load_idx %arg5[%parallel_loop3A_526] : memref<512xf32, #tpu.memory_space<vmem>>[vector<16xi32>], vector<16xf32>,
        %parallel_loop3A_528 = arith.constant 16 : i32
        %parallel_loop3A_529 = arith.muli %parallel_loop3A_238, %parallel_loop3A_528 : i32
        %parallel_loop3A_530 = arith.constant 23 : i32
        %parallel_loop3A_531 = arith.index_cast %rem3A_189 : i32 to index
        %parallel_loop3A_532 = arith.index_cast %parallel_loop3A_530 : i32 to index
        %parallel_loop3A_533 = arith.index_cast %parallel_loop3A_529 : i32 to index
        %parallel_loop3A_534 = tpu.vector_load %arg7[%parallel_loop3A_531, %parallel_loop3A_532, %parallel_loop3A_533] {strides = array<i32>} : memref<2x32x1024xf32, #tpu.memory_space<vmem>>, vector<16xf32>,
        tpu.vector_store %arg7[%parallel_loop3A_531, %parallel_loop3A_532, %parallel_loop3A_533], %parallel_loop3A_527 {strides = array<i32>} : memref<2x32x1024xf32, #tpu.memory_space<vmem>>, vector<16xf32>,
        %parallel_loop3A_535 = arith.constant 384 : i32
        %parallel_loop3A_536 = vector.broadcast %parallel_loop3A_535 : i32 to vector<16xi32>
        %parallel_loop3A_537 = arith.addi %parallel_loop3A_270, %parallel_loop3A_536 : vector<16xi32>
        %parallel_loop3A_538 = tpu.vector_load_idx %arg5[%parallel_loop3A_537] : memref<512xf32, #tpu.memory_space<vmem>>[vector<16xi32>], vector<16xf32>,
        %parallel_loop3A_539 = arith.constant 16 : i32
        %parallel_loop3A_540 = arith.muli %parallel_loop3A_238, %parallel_loop3A_539 : i32
        %parallel_loop3A_541 = arith.constant 24 : i32
        %parallel_loop3A_542 = arith.index_cast %rem3A_189 : i32 to index
        %parallel_loop3A_543 = arith.index_cast %parallel_loop3A_541 : i32 to index
        %parallel_loop3A_544 = arith.index_cast %parallel_loop3A_540 : i32 to index
        %parallel_loop3A_545 = tpu.vector_load %arg7[%parallel_loop3A_542, %parallel_loop3A_543, %parallel_loop3A_544] {strides = array<i32>} : memref<2x32x1024xf32, #tpu.memory_space<vmem>>, vector<16xf32>,
        tpu.vector_store %arg7[%parallel_loop3A_542, %parallel_loop3A_543, %parallel_loop3A_544], %parallel_loop3A_538 {strides = array<i32>} : memref<2x32x1024xf32, #tpu.memory_space<vmem>>, vector<16xf32>,
        %parallel_loop3A_546 = arith.constant 400 : i32
        %parallel_loop3A_547 = vector.broadcast %parallel_loop3A_546 : i32 to vector<16xi32>
        %parallel_loop3A_548 = arith.addi %parallel_loop3A_270, %parallel_loop3A_547 : vector<16xi32>
        %parallel_loop3A_549 = tpu.vector_load_idx %arg5[%parallel_loop3A_548] : memref<512xf32, #tpu.memory_space<vmem>>[vector<16xi32>], vector<16xf32>,
        %parallel_loop3A_550 = arith.constant 16 : i32
        %parallel_loop3A_551 = arith.muli %parallel_loop3A_238, %parallel_loop3A_550 : i32
        %parallel_loop3A_552 = arith.constant 25 : i32
        %parallel_loop3A_553 = arith.index_cast %rem3A_189 : i32 to index
        %parallel_loop3A_554 = arith.index_cast %parallel_loop3A_552 : i32 to index
        %parallel_loop3A_555 = arith.index_cast %parallel_loop3A_551 : i32 to index
        %parallel_loop3A_556 = tpu.vector_load %arg7[%parallel_loop3A_553, %parallel_loop3A_554, %parallel_loop3A_555] {strides = array<i32>} : memref<2x32x1024xf32, #tpu.memory_space<vmem>>, vector<16xf32>,
        tpu.vector_store %arg7[%parallel_loop3A_553, %parallel_loop3A_554, %parallel_loop3A_555], %parallel_loop3A_549 {strides = array<i32>} : memref<2x32x1024xf32, #tpu.memory_space<vmem>>, vector<16xf32>,
        %parallel_loop3A_557 = arith.constant 416 : i32
        %parallel_loop3A_558 = vector.broadcast %parallel_loop3A_557 : i32 to vector<16xi32>
        %parallel_loop3A_559 = arith.addi %parallel_loop3A_270, %parallel_loop3A_558 : vector<16xi32>
        %parallel_loop3A_560 = tpu.vector_load_idx %arg5[%parallel_loop3A_559] : memref<512xf32, #tpu.memory_space<vmem>>[vector<16xi32>], vector<16xf32>,
        %parallel_loop3A_561 = arith.constant 16 : i32
        %parallel_loop3A_562 = arith.muli %parallel_loop3A_238, %parallel_loop3A_561 : i32
        %parallel_loop3A_563 = arith.constant 26 : i32
        %parallel_loop3A_564 = arith.index_cast %rem3A_189 : i32 to index
        %parallel_loop3A_565 = arith.index_cast %parallel_loop3A_563 : i32 to index
        %parallel_loop3A_566 = arith.index_cast %parallel_loop3A_562 : i32 to index
        %parallel_loop3A_567 = tpu.vector_load %arg7[%parallel_loop3A_564, %parallel_loop3A_565, %parallel_loop3A_566] {strides = array<i32>} : memref<2x32x1024xf32, #tpu.memory_space<vmem>>, vector<16xf32>,
        tpu.vector_store %arg7[%parallel_loop3A_564, %parallel_loop3A_565, %parallel_loop3A_566], %parallel_loop3A_560 {strides = array<i32>} : memref<2x32x1024xf32, #tpu.memory_space<vmem>>, vector<16xf32>,
        %parallel_loop3A_568 = arith.constant 432 : i32
        %parallel_loop3A_569 = vector.broadcast %parallel_loop3A_568 : i32 to vector<16xi32>
        %parallel_loop3A_570 = arith.addi %parallel_loop3A_270, %parallel_loop3A_569 : vector<16xi32>
        %parallel_loop3A_571 = tpu.vector_load_idx %arg5[%parallel_loop3A_570] : memref<512xf32, #tpu.memory_space<vmem>>[vector<16xi32>], vector<16xf32>,
        %parallel_loop3A_572 = arith.constant 16 : i32
        %parallel_loop3A_573 = arith.muli %parallel_loop3A_238, %parallel_loop3A_572 : i32
        %parallel_loop3A_574 = arith.constant 27 : i32
        %parallel_loop3A_575 = arith.index_cast %rem3A_189 : i32 to index
        %parallel_loop3A_576 = arith.index_cast %parallel_loop3A_574 : i32 to index
        %parallel_loop3A_577 = arith.index_cast %parallel_loop3A_573 : i32 to index
        %parallel_loop3A_578 = tpu.vector_load %arg7[%parallel_loop3A_575, %parallel_loop3A_576, %parallel_loop3A_577] {strides = array<i32>} : memref<2x32x1024xf32, #tpu.memory_space<vmem>>, vector<16xf32>,
        tpu.vector_store %arg7[%parallel_loop3A_575, %parallel_loop3A_576, %parallel_loop3A_577], %parallel_loop3A_571 {strides = array<i32>} : memref<2x32x1024xf32, #tpu.memory_space<vmem>>, vector<16xf32>,
        %parallel_loop3A_579 = arith.constant 448 : i32
        %parallel_loop3A_580 = vector.broadcast %parallel_loop3A_579 : i32 to vector<16xi32>
        %parallel_loop3A_581 = arith.addi %parallel_loop3A_270, %parallel_loop3A_580 : vector<16xi32>
        %parallel_loop3A_582 = tpu.vector_load_idx %arg5[%parallel_loop3A_581] : memref<512xf32, #tpu.memory_space<vmem>>[vector<16xi32>], vector<16xf32>,
        %parallel_loop3A_583 = arith.constant 16 : i32
        %parallel_loop3A_584 = arith.muli %parallel_loop3A_238, %parallel_loop3A_583 : i32
        %parallel_loop3A_585 = arith.constant 28 : i32
        %parallel_loop3A_586 = arith.index_cast %rem3A_189 : i32 to index
        %parallel_loop3A_587 = arith.index_cast %parallel_loop3A_585 : i32 to index
        %parallel_loop3A_588 = arith.index_cast %parallel_loop3A_584 : i32 to index
        %parallel_loop3A_589 = tpu.vector_load %arg7[%parallel_loop3A_586, %parallel_loop3A_587, %parallel_loop3A_588] {strides = array<i32>} : memref<2x32x1024xf32, #tpu.memory_space<vmem>>, vector<16xf32>,
        tpu.vector_store %arg7[%parallel_loop3A_586, %parallel_loop3A_587, %parallel_loop3A_588], %parallel_loop3A_582 {strides = array<i32>} : memref<2x32x1024xf32, #tpu.memory_space<vmem>>, vector<16xf32>,
        %parallel_loop3A_590 = arith.constant 464 : i32
        %parallel_loop3A_591 = vector.broadcast %parallel_loop3A_590 : i32 to vector<16xi32>
        %parallel_loop3A_592 = arith.addi %parallel_loop3A_270, %parallel_loop3A_591 : vector<16xi32>
        %parallel_loop3A_593 = tpu.vector_load_idx %arg5[%parallel_loop3A_592] : memref<512xf32, #tpu.memory_space<vmem>>[vector<16xi32>], vector<16xf32>,
        %parallel_loop3A_594 = arith.constant 16 : i32
        %parallel_loop3A_595 = arith.muli %parallel_loop3A_238, %parallel_loop3A_594 : i32
        %parallel_loop3A_596 = arith.constant 29 : i32
        %parallel_loop3A_597 = arith.index_cast %rem3A_189 : i32 to index
        %parallel_loop3A_598 = arith.index_cast %parallel_loop3A_596 : i32 to index
        %parallel_loop3A_599 = arith.index_cast %parallel_loop3A_595 : i32 to index
        %parallel_loop3A_600 = tpu.vector_load %arg7[%parallel_loop3A_597, %parallel_loop3A_598, %parallel_loop3A_599] {strides = array<i32>} : memref<2x32x1024xf32, #tpu.memory_space<vmem>>, vector<16xf32>,
        tpu.vector_store %arg7[%parallel_loop3A_597, %parallel_loop3A_598, %parallel_loop3A_599], %parallel_loop3A_593 {strides = array<i32>} : memref<2x32x1024xf32, #tpu.memory_space<vmem>>, vector<16xf32>,
        %parallel_loop3A_601 = arith.constant 480 : i32
        %parallel_loop3A_602 = vector.broadcast %parallel_loop3A_601 : i32 to vector<16xi32>
        %parallel_loop3A_603 = arith.addi %parallel_loop3A_270, %parallel_loop3A_602 : vector<16xi32>
        %parallel_loop3A_604 = tpu.vector_load_idx %arg5[%parallel_loop3A_603] : memref<512xf32, #tpu.memory_space<vmem>>[vector<16xi32>], vector<16xf32>,
        %parallel_loop3A_605 = arith.constant 16 : i32
        %parallel_loop3A_606 = arith.muli %parallel_loop3A_238, %parallel_loop3A_605 : i32
        %parallel_loop3A_607 = arith.constant 30 : i32
        %parallel_loop3A_608 = arith.index_cast %rem3A_189 : i32 to index
        %parallel_loop3A_609 = arith.index_cast %parallel_loop3A_607 : i32 to index
        %parallel_loop3A_610 = arith.index_cast %parallel_loop3A_606 : i32 to index
        %parallel_loop3A_611 = tpu.vector_load %arg7[%parallel_loop3A_608, %parallel_loop3A_609, %parallel_loop3A_610] {strides = array<i32>} : memref<2x32x1024xf32, #tpu.memory_space<vmem>>, vector<16xf32>,
        tpu.vector_store %arg7[%parallel_loop3A_608, %parallel_loop3A_609, %parallel_loop3A_610], %parallel_loop3A_604 {strides = array<i32>} : memref<2x32x1024xf32, #tpu.memory_space<vmem>>, vector<16xf32>,
        %parallel_loop3A_612 = arith.constant 496 : i32
        %parallel_loop3A_613 = vector.broadcast %parallel_loop3A_612 : i32 to vector<16xi32>
        %parallel_loop3A_614 = arith.addi %parallel_loop3A_270, %parallel_loop3A_613 : vector<16xi32>
        %parallel_loop3A_615 = tpu.vector_load_idx %arg5[%parallel_loop3A_614] : memref<512xf32, #tpu.memory_space<vmem>>[vector<16xi32>], vector<16xf32>,
        %parallel_loop3A_616 = arith.constant 16 : i32
        %parallel_loop3A_617 = arith.muli %parallel_loop3A_238, %parallel_loop3A_616 : i32
        %parallel_loop3A_618 = arith.constant 31 : i32
        %parallel_loop3A_619 = arith.index_cast %rem3A_189 : i32 to index
        %parallel_loop3A_620 = arith.index_cast %parallel_loop3A_618 : i32 to index
        %parallel_loop3A_621 = arith.index_cast %parallel_loop3A_617 : i32 to index
        %parallel_loop3A_622 = tpu.vector_load %arg7[%parallel_loop3A_619, %parallel_loop3A_620, %parallel_loop3A_621] {strides = array<i32>} : memref<2x32x1024xf32, #tpu.memory_space<vmem>>, vector<16xf32>,
        tpu.vector_store %arg7[%parallel_loop3A_619, %parallel_loop3A_620, %parallel_loop3A_621], %parallel_loop3A_615 {strides = array<i32>} : memref<2x32x1024xf32, #tpu.memory_space<vmem>>, vector<16xf32>,
      } {sc.loop_unroll_factor = 2 : i64, sc.parallel_access}
      %add3A_214 = arith.addi %mul3A_53, %scan3A_187 : i32
      %dma_start3A_215 = arith.constant 0 : i32
      %dma_start3A_216 = arith.constant 0 : i32
      %dma_start3A_217 = tpu.memref_slice %arg7[%rem3A_189, %dma_start3A_215, %dma_start3A_216] : memref<2x32x1024xf32, #tpu.memory_space<vmem>> -> memref<1x32x1024xf32, #tpu.memory_space<vmem>>
      %dma_start3A_218 = tpu.memref_squeeze %dma_start3A_217 : memref<1x32x1024xf32, #tpu.memory_space<vmem>> -> memref<32x1024xf32, #tpu.memory_space<vmem>>
      %dma_start3A_219 = arith.constant 0 : i32
      %dma_start3A_220 = tpu.memref_slice %arg4[%add3A_214, %dma_start3A_219, %multiple_of3A] : memref<200x32x16384xf32, #tpu.memory_space<hbm>> -> memref<1x32x1024xf32, #tpu.memory_space<hbm>>
      %dma_start3A_221 = tpu.memref_squeeze %dma_start3A_220 : memref<1x32x1024xf32, #tpu.memory_space<hbm>> -> memref<32x1024xf32, #tpu.memory_space<hbm>>
      %dma_start3A_222 = tpu.memref_slice %arg9[%rem3A_189] : memref<2x!tpu.dma_semaphore, #tpu.memory_space<semaphore_mem>> -> memref<1x!tpu.dma_semaphore, #tpu.memory_space<semaphore_mem>>
      %dma_start3A_223 = tpu.memref_squeeze %dma_start3A_222 : memref<1x!tpu.dma_semaphore, #tpu.memory_space<semaphore_mem>> -> memref<!tpu.dma_semaphore, #tpu.memory_space<semaphore_mem>>
      %dma_start3A_224 = arith.constant 0 : i32
      %dma_start3A_225 = tpu.memref_slice %arg4[%add3A_214, %dma_start3A_224, %multiple_of3A] : memref<200x32x16384xf32, #tpu.memory_space<hbm>> -> memref<1x32x1024xf32, #tpu.memory_space<hbm>>
      %dma_start3A_226 = tpu.memref_squeeze %dma_start3A_225 : memref<1x32x1024xf32, #tpu.memory_space<hbm>> -> memref<32x1024xf32, #tpu.memory_space<hbm>>
      %dma_start3A_227 = arith.constant 0 : i32
      %dma_start3A_228 = arith.constant 0 : i32
      %dma_start3A_229 = tpu.memref_slice %arg7[%rem3A_189, %dma_start3A_227, %dma_start3A_228] : memref<2x32x1024xf32, #tpu.memory_space<vmem>> -> memref<1x32x1024xf32, #tpu.memory_space<vmem>>
      %dma_start3A_230 = tpu.memref_squeeze %dma_start3A_229 : memref<1x32x1024xf32, #tpu.memory_space<vmem>> -> memref<32x1024xf32, #tpu.memory_space<vmem>>
      tpu.enqueue_dma source(%dma_start3A_230 : memref<32x1024xf32, #tpu.memory_space<vmem>>) target(%dma_start3A_226 : memref<32x1024xf32, #tpu.memory_space<hbm>>) target_semaphore(%dma_start3A_223 : memref<!tpu.dma_semaphore, #tpu.memory_space<semaphore_mem>>)
      %add3A_231 = arith.constant 2 : i32
      %add3A_232 = arith.addi %scan3A_187, %add3A_231 : i32
      %lt3A_233 = arith.constant 100 : i32
      %lt3A_234 = arith.cmpi slt, %add3A_232, %lt3A_233 : i32
      %convert_element_type3A_235 = arith.extui %lt3A_234 : i1 to i32
      %cond3A_236 = arith.constant 0 : i32
      %cond3A_237 = arith.cmpi ne, %convert_element_type3A_235, %cond3A_236 : i32
      scf.if %cond3A_237 {
        %add3A_238 = arith.constant 2 : i32
        %add3A_239 = arith.addi %scan3A_187, %add3A_238 : i32
        %add3A_240 = arith.addi %mul3A_53, %add3A_239 : i32
        %jit3A_241 = arith.constant 8 : i32
        %div3A_242 = arith.divsi %add3A_240, %jit3A_241 : i32
        %sign3A_243 = arith.constant 0 : i32
        %sign3A_244 = arith.cmpi sgt, %add3A_240, %sign3A_243 : i32
        %sign3A_245 = arith.extui %sign3A_244 : i1 to i32
        %sign3A_246 = arith.constant 0 : i32
        %sign3A_247 = arith.cmpi slt, %add3A_240, %sign3A_246 : i32
        %sign3A_248 = arith.extui %sign3A_247 : i1 to i32
        %sign3A_249 = arith.subi %sign3A_245, %sign3A_248 : i32
        %sign3A_250 = arith.constant 0 : i32
        %sign3A_251 = arith.cmpi sgt, %jit3A_241, %sign3A_250 : i32
        %sign3A_252 = arith.extui %sign3A_251 : i1 to i32
        %sign3A_253 = arith.constant 0 : i32
        %sign3A_254 = arith.cmpi slt, %jit3A_241, %sign3A_253 : i32
        %sign3A_255 = arith.extui %sign3A_254 : i1 to i32
        %sign3A_256 = arith.subi %sign3A_252, %sign3A_255 : i32
        %ne3A_257 = arith.cmpi ne, %sign3A_249, %sign3A_256 : i32
        %rem3A_258 = arith.remsi %add3A_240, %jit3A_241 : i32
        %ne3A_259 = arith.constant 0 : i32
        %ne3A_260 = arith.cmpi ne, %rem3A_258, %ne3A_259 : i32
        %and3A_261 = arith.andi %ne3A_257, %ne3A_260 : i1
        %sub3A_262 = arith.constant 1 : i32
        %sub3A_263 = arith.subi %div3A_242, %sub3A_262 : i32
        %select_n3A_264 = arith.select %and3A_261, %sub3A_263, %div3A_242 : i32
        %rem3A_265 = arith.constant 8 : i32
        %rem3A_266 = arith.remsi %add3A_240, %rem3A_265 : i32
        %dma_start3A_267 = arith.constant 0 : i32
        %dma_start3A_268 = arith.constant 0 : i32
        %dma_start3A_269 = tpu.memref_slice %arg6[%rem3A_189, %dma_start3A_267, %dma_start3A_268] : memref<2x8x128xi32, #tpu.memory_space<vmem>> -> memref<1x8x128xi32, #tpu.memory_space<vmem>>
        %dma_start3A_270 = tpu.memref_squeeze %dma_start3A_269 : memref<1x8x128xi32, #tpu.memory_space<vmem>> -> memref<8x128xi32, #tpu.memory_space<vmem>>
        %dma_start3A_271 = arith.constant 0 : i32
        %dma_start3A_272 = tpu.memref_slice %arg2[%select_n3A_264, %multiple_of3A_30, %rem3A_266, %dma_start3A_271] : memref<25x128x8x128xi32, #tpu.memory_space<hbm>> -> memref<1x8x1x128xi32, #tpu.memory_space<hbm>>
        %dma_start3A_273 = tpu.memref_squeeze %dma_start3A_272 : memref<1x8x1x128xi32, #tpu.memory_space<hbm>> -> memref<8x128xi32, #tpu.memory_space<hbm>>
        %dma_start3A_274 = tpu.memref_slice %arg8[%rem3A_189] : memref<2x!tpu.dma_semaphore, #tpu.memory_space<semaphore_mem>> -> memref<1x!tpu.dma_semaphore, #tpu.memory_space<semaphore_mem>>
        %dma_start3A_275 = tpu.memref_squeeze %dma_start3A_274 : memref<1x!tpu.dma_semaphore, #tpu.memory_space<semaphore_mem>> -> memref<!tpu.dma_semaphore, #tpu.memory_space<semaphore_mem>>
        %dma_start3A_276 = arith.constant 0 : i32
        %dma_start3A_277 = arith.constant 0 : i32
        %dma_start3A_278 = tpu.memref_slice %arg6[%rem3A_189, %dma_start3A_276, %dma_start3A_277] : memref<2x8x128xi32, #tpu.memory_space<vmem>> -> memref<1x8x128xi32, #tpu.memory_space<vmem>>
        %dma_start3A_279 = tpu.memref_squeeze %dma_start3A_278 : memref<1x8x128xi32, #tpu.memory_space<vmem>> -> memref<8x128xi32, #tpu.memory_space<vmem>>
        %dma_start3A_280 = arith.constant 0 : i32
        %dma_start3A_281 = tpu.memref_slice %arg2[%select_n3A_264, %multiple_of3A_30, %rem3A_266, %dma_start3A_280] : memref<25x128x8x128xi32, #tpu.memory_space<hbm>> -> memref<1x8x1x128xi32, #tpu.memory_space<hbm>>
        %dma_start3A_282 = tpu.memref_squeeze %dma_start3A_281 : memref<1x8x1x128xi32, #tpu.memory_space<hbm>> -> memref<8x128xi32, #tpu.memory_space<hbm>>
        tpu.enqueue_dma source(%dma_start3A_282 : memref<8x128xi32, #tpu.memory_space<hbm>>) target(%dma_start3A_279 : memref<8x128xi32, #tpu.memory_space<vmem>>) target_semaphore(%dma_start3A_275 : memref<!tpu.dma_semaphore, #tpu.memory_space<semaphore_mem>>)
      } else {
      }
    }
    %scan3A_149 = arith.constant 100 : i32
    %dma_wait3A = arith.constant 0 : i32
    %dma_wait3A_150 = arith.constant 0 : i32
    %dma_wait3A_151 = arith.constant 0 : i32
    %dma_wait3A_152 = arith.constant 0 : i32
    %dma_wait3A_153 = arith.constant 0 : i32
    %dma_wait3A_154 = tpu.memref_slice %arg7[%dma_wait3A, %dma_wait3A_152, %dma_wait3A_153] : memref<2x32x1024xf32, #tpu.memory_space<vmem>> -> memref<1x32x1024xf32, #tpu.memory_space<vmem>>
    %dma_wait3A_155 = tpu.memref_squeeze %dma_wait3A_154 : memref<1x32x1024xf32, #tpu.memory_space<vmem>> -> memref<32x1024xf32, #tpu.memory_space<vmem>>
    %dma_wait3A_156 = arith.constant 0 : i32
    %dma_wait3A_157 = tpu.memref_slice %arg4[%dma_wait3A_150, %dma_wait3A_156, %multiple_of3A] : memref<200x32x16384xf32, #tpu.memory_space<hbm>> -> memref<1x32x1024xf32, #tpu.memory_space<hbm>>
    %dma_wait3A_158 = tpu.memref_squeeze %dma_wait3A_157 : memref<1x32x1024xf32, #tpu.memory_space<hbm>> -> memref<32x1024xf32, #tpu.memory_space<hbm>>
    %dma_wait3A_159 = tpu.memref_slice %arg9[%dma_wait3A_151] : memref<2x!tpu.dma_semaphore, #tpu.memory_space<semaphore_mem>> -> memref<1x!tpu.dma_semaphore, #tpu.memory_space<semaphore_mem>>
    %dma_wait3A_160 = tpu.memref_squeeze %dma_wait3A_159 : memref<1x!tpu.dma_semaphore, #tpu.memory_space<semaphore_mem>> -> memref<!tpu.dma_semaphore, #tpu.memory_space<semaphore_mem>>
    %dma_wait3A_161 = arith.constant 0 : i32
    %dma_wait3A_162 = tpu.memref_slice %arg4[%dma_wait3A_150, %dma_wait3A_161, %multiple_of3A] : memref<200x32x16384xf32, #tpu.memory_space<hbm>> -> memref<1x32x1024xf32, #tpu.memory_space<hbm>>
    %dma_wait3A_163 = tpu.memref_squeeze %dma_wait3A_162 : memref<1x32x1024xf32, #tpu.memory_space<hbm>> -> memref<32x1024xf32, #tpu.memory_space<hbm>>
    %dma_wait3A_164 = arith.constant 0 : i32
    %dma_wait3A_165 = arith.constant 0 : i32
    %dma_wait3A_166 = tpu.memref_slice %arg7[%dma_wait3A, %dma_wait3A_164, %dma_wait3A_165] : memref<2x32x1024xf32, #tpu.memory_space<vmem>> -> memref<1x32x1024xf32, #tpu.memory_space<vmem>>
    %dma_wait3A_167 = tpu.memref_squeeze %dma_wait3A_166 : memref<1x32x1024xf32, #tpu.memory_space<vmem>> -> memref<32x1024xf32, #tpu.memory_space<vmem>>
    tpu.wait_dma2 semaphore(%dma_wait3A_160 : memref<!tpu.dma_semaphore, #tpu.memory_space<semaphore_mem>>) src(%dma_wait3A_167 : memref<32x1024xf32, #tpu.memory_space<vmem>>) dst(%dma_wait3A_163 : memref<32x1024xf32, #tpu.memory_space<hbm>>)
    %dma_wait3A_168 = arith.constant 1 : i32
    %dma_wait3A_169 = arith.constant 0 : i32
    %dma_wait3A_170 = arith.constant 1 : i32
    %dma_wait3A_171 = arith.constant 0 : i32
    %dma_wait3A_172 = arith.constant 0 : i32
    %dma_wait3A_173 = tpu.memref_slice %arg7[%dma_wait3A_168, %dma_wait3A_171, %dma_wait3A_172] : memref<2x32x1024xf32, #tpu.memory_space<vmem>> -> memref<1x32x1024xf32, #tpu.memory_space<vmem>>
    %dma_wait3A_174 = tpu.memref_squeeze %dma_wait3A_173 : memref<1x32x1024xf32, #tpu.memory_space<vmem>> -> memref<32x1024xf32, #tpu.memory_space<vmem>>
    %dma_wait3A_175 = arith.constant 0 : i32
    %dma_wait3A_176 = tpu.memref_slice %arg4[%dma_wait3A_169, %dma_wait3A_175, %multiple_of3A] : memref<200x32x16384xf32, #tpu.memory_space<hbm>> -> memref<1x32x1024xf32, #tpu.memory_space<hbm>>
    %dma_wait3A_177 = tpu.memref_squeeze %dma_wait3A_176 : memref<1x32x1024xf32, #tpu.memory_space<hbm>> -> memref<32x1024xf32, #tpu.memory_space<hbm>>
    %dma_wait3A_178 = tpu.memref_slice %arg9[%dma_wait3A_170] : memref<2x!tpu.dma_semaphore, #tpu.memory_space<semaphore_mem>> -> memref<1x!tpu.dma_semaphore, #tpu.memory_space<semaphore_mem>>
    %dma_wait3A_179 = tpu.memref_squeeze %dma_wait3A_178 : memref<1x!tpu.dma_semaphore, #tpu.memory_space<semaphore_mem>> -> memref<!tpu.dma_semaphore, #tpu.memory_space<semaphore_mem>>
    %dma_wait3A_180 = arith.constant 0 : i32
    %dma_wait3A_181 = tpu.memref_slice %arg4[%dma_wait3A_169, %dma_wait3A_180, %multiple_of3A] : memref<200x32x16384xf32, #tpu.memory_space<hbm>> -> memref<1x32x1024xf32, #tpu.memory_space<hbm>>
    %dma_wait3A_182 = tpu.memref_squeeze %dma_wait3A_181 : memref<1x32x1024xf32, #tpu.memory_space<hbm>> -> memref<32x1024xf32, #tpu.memory_space<hbm>>
    %dma_wait3A_183 = arith.constant 0 : i32
    %dma_wait3A_184 = arith.constant 0 : i32
    %dma_wait3A_185 = tpu.memref_slice %arg7[%dma_wait3A_168, %dma_wait3A_183, %dma_wait3A_184] : memref<2x32x1024xf32, #tpu.memory_space<vmem>> -> memref<1x32x1024xf32, #tpu.memory_space<vmem>>
    %dma_wait3A_186 = tpu.memref_squeeze %dma_wait3A_185 : memref<1x32x1024xf32, #tpu.memory_space<vmem>> -> memref<32x1024xf32, #tpu.memory_space<vmem>>
    tpu.wait_dma2 semaphore(%dma_wait3A_179 : memref<!tpu.dma_semaphore, #tpu.memory_space<semaphore_mem>>) src(%dma_wait3A_186 : memref<32x1024xf32, #tpu.memory_space<vmem>>) dst(%dma_wait3A_182 : memref<32x1024xf32, #tpu.memory_space<hbm>>)
    return
  }
}

</mosaic_0001>

<sc_bundles>
// kernel: kernel.3.cloned.1.call-start
scs
__scs_entry_jumppad:
0x0: {  	(pc) =	sbr.rel $0x88, $3  }
0x1: {  	(tag) =	ssettag $0x0;
	lr =	simm.s32 $0x1  }
0x2: {  	[smem:$0x3F9F] =	sst lr;
	_ =	strace $0xD0000000  }
0x3: {  	_ = 	snop  }
0x4: {  	_ = 	snop  }
0x5: {  	_ = 	snop  }
0x6: {  	_ = 	snop  }
0x7: {  	_ = 	snop  }
__scs_overlays_trampoline_lowered:
0x8: {  	[smem:$0x3FAE] =	sst s0  }
0x9: {  	[smem:$0x3FAF] =	sst s1  }
0xa: {  	[smem:$0x3FB0] =	sst s2  }
0xb: {  	[smem:$0x3FB1] =	sst s3  }
0xc: {  	[smem:$0x3FB2] =	sst s4  }
0xd: {  	[smem:$0x3FB3] =	sst s5  }
0xe: {  	[smem:$0x3FB4] =	sst s6  }
0xf: {  	[smem:$0x3FB5] =	sst s7  }
0x10: {  	[smem:$0x3FB6] =	sst s8  }
0x11: {  	[smem:$0x3FB7] =	sst s9;
	s0 =	simm.s32 @!p0 $0x0  }
0x12: {  	s1 =	sld [smem:$0x3F9D];
	s0 =	simm.s32 @p0 $0x1  }
0x13: {  	[smem:$0x3FB8] =	sst s0;
	s0 =	simm.s32 @!p1 $0x0  }
0x14: {  	s2 =	sld [smem:$0x3F9C];
	s0 =	simm.s32 @p1 $0x1  }
0x15: {  	[smem:$0x3FB9] =	sst s0;
	s0 =	simm.s32 @!p2 $0x0  }
0x16: {  	s3 =	sld [smem:$0x3FDB];
	s0 =	simm.s32 @p2 $0x1  }
0x17: {  	s4 =	simm.s32 $0x1BF5;
	[smem:$0x3FBB] =	sst s0  }
0x18: {  	s0 =	sld [smem:$0x3F9E];
	_ =	swait.ge [sflag:s4], $0x0  }
0x19: {  	s7 =	sld [smem:$0x3F9F]  }
0x1a: {  	s8 =	sadd.s32 $0xFFFFE003, lr  }
0x1b: {  	s9 =	sadd.s32 $0xFFFFFEF7, lr;
	s5 =	simm.s32 $0xFFFFFFFF;
	p2 =	slt.u32 s8, $0xFFFFF086  }
0x1c: {  	p1 =	slt.u32 s9, $0xF7A;
	s5 =	simm.s32 @!p2 $0x0  }
0x1d: {  	s5 =	simm.s32 @p1 $0x1;
	p0 =	seq.s32 s7, s2  }
0x1e: {  	s7 =	smul.u32 @!p0 $0xF7A, s2;
	p2 =	seq.s32 @!p0 s5, $0x0  }
0x1f: {  	s9 =	smul.u32 $0xF7A, s1;
	s8 =	simm.s32 @!p0 $0x1BF5;
	p2 =	por !p2, p0  }
0x20: {  	[sflag:s8] =	ssyncset.s32 @!p0 $0xFFFFF086;
	s6 =	sadd.s32 @!p0 s3, s7;
	s7 =	simm.s32 @!p0 $0x108  }
0x21: {  	s3 =	sadd.s32 s3, s9;
	s6 =	sadd.s32 @!p0 $0x88, s6;
	s7 =	simm.s32 @p2 $0x1082  }
0x22: {  	[simem:s7], [sflag:s8] =	dma.local @!p0 [hbm:s6], $0xF7A  }
0x23: {  	s9 =	sor.u32 $0xD0000000, s2;
	s6 =	simm.s32 $0x108;
	_ =	swait.ge @!p0 [sflag:s8], $0x0  }
0x24: {  	s3 =	sadd.s32 $0x88, s3;
	s6 =	simm.s32 @!p1 $0x1082;
	[sflag:s4] =	ssyncset.s32 $0xFFFFF086  }
0x25: {  	[simem:s6], [sflag:s4] =	dma.local [hbm:s3], $0xF7A  }
0x26: {  	[smem:$0x3F9F] =	sst s1;
	(tag) =	ssettag s2;
	_ =	strace s9  }
0x27: {  	s1 =	sld [smem:$0x3FAF]  }
0x28: {  	s2 =	sld [smem:$0x3FB0]  }
0x29: {  	s4 =	sld [smem:$0x3FB2]  }
0x2a: {  	p0 =	seq.s32 s5, $0x0;
	s5 =	sld [smem:$0x3FB3]  }
0x2b: {  	s6 =	sld [smem:$0x3FB4]  }
0x2c: {  	s7 =	sld [smem:$0x3FB5]  }
0x2d: {  	s3 =	simm.s32 $0x108;
	s8 =	sld [smem:$0x3FB6]  }
0x2e: {  	s3 =	simm.s32 @!p0 $0x1082;
	s9 =	sld [smem:$0x3FB7]  }
0x2f: {  	lr =	sadd.s32 s0, s3;
	s0 =	sld [smem:$0x3FAE]  }
0x30: {  	s3 =	sld [smem:$0x3FB1]  }
0x31: {  	[smem:$0x3FBA] =	sst s10  }
0x32: {  	s10 =	sld [smem:$0x3FB8];
	_ =	sdelay $0x3  }
0x33: {  	p0 =	seq.s32 s10, $0x1;
	s10 =	sld [smem:$0x3FBA];
	_ =	sdelay $0x3  }
0x34: {  	[smem:$0x3FBA] =	sst s10  }
0x35: {  	s10 =	sld [smem:$0x3FB9];
	_ =	sdelay $0x3  }
0x36: {  	p1 =	seq.s32 s10, $0x1;
	s10 =	sld [smem:$0x3FBA];
	_ =	sdelay $0x3  }
0x37: {  	[smem:$0x3FBA] =	sst s10  }
0x38: {  	s10 =	sld [smem:$0x3FBB]  }
0x39: {  	_ = 	snop;
	(pc) =	sbr.ind lr, $3  }
0x3a: {  	_ = 	snop  }
0x3b: {  	_ = 	snop  }
0x3c: {  	p2 =	seq.s32 s10, $0x1;
	s10 =	sld [smem:$0x3FBA]  }
0x3d: {  	_ =	shalt  }
0x3e: {  	_ =	shalt  }
0x3f: {  	_ =	shalt  }
0x40: {  	_ =	shalt  }
0x41: {  	_ =	shalt  }
0x42: {  	_ =	shalt  }
0x43: {  	_ =	shalt  }
0x44: {  	_ =	shalt  }
0x45: {  	_ =	shalt  }
0x46: {  	_ =	shalt  }
0x47: {  	_ =	shalt  }
0x48: {  	_ =	shalt  }
0x49: {  	_ =	shalt  }
0x4a: {  	_ =	shalt  }
0x4b: {  	_ =	shalt  }
0x4c: {  	_ =	shalt  }
0x4d: {  	_ =	shalt  }
0x4e: {  	_ =	shalt  }
0x4f: {  	_ =	shalt  }
0x50: {  	_ =	shalt  }
0x51: {  	_ =	shalt  }
0x52: {  	_ =	shalt  }
0x53: {  	_ =	shalt  }
0x54: {  	_ =	shalt  }
0x55: {  	_ =	shalt  }
0x56: {  	_ =	shalt  }
0x57: {  	_ =	shalt  }
0x58: {  	_ =	shalt  }
0x59: {  	_ =	shalt  }
0x5a: {  	_ =	shalt  }
0x5b: {  	_ =	shalt  }
0x5c: {  	_ =	shalt  }
0x5d: {  	_ =	shalt  }
0x5e: {  	_ =	shalt  }
0x5f: {  	_ =	shalt  }
0x60: {  	_ =	shalt  }
0x61: {  	_ =	shalt  }
0x62: {  	_ =	shalt  }
0x63: {  	_ =	shalt  }
0x64: {  	_ =	shalt  }
0x65: {  	_ =	shalt  }
0x66: {  	_ =	shalt  }
0x67: {  	_ =	shalt  }
0x68: {  	_ =	shalt  }
0x69: {  	_ =	shalt  }
0x6a: {  	_ =	shalt  }
0x6b: {  	_ =	shalt  }
0x6c: {  	_ =	shalt  }
0x6d: {  	_ =	shalt  }
0x6e: {  	_ =	shalt  }
0x6f: {  	_ =	shalt  }
0x70: {  	_ =	shalt  }
0x71: {  	_ =	shalt  }
0x72: {  	_ =	shalt  }
0x73: {  	_ =	shalt  }
0x74: {  	_ =	shalt  }
0x75: {  	_ =	shalt  }
0x76: {  	_ =	shalt  }
0x77: {  	_ =	shalt  }
0x78: {  	_ =	shalt  }
0x79: {  	_ =	shalt  }
0x7a: {  	_ =	shalt  }
0x7b: {  	_ =	shalt  }
0x7c: {  	_ =	shalt  }
0x7d: {  	_ =	shalt  }
0x7e: {  	_ =	shalt  }
0x7f: {  	_ =	shalt  }
0x80: {  	_ =	shalt  }
0x81: {  	_ =	shalt  }
0x82: {  	_ =	shalt  }
0x83: {  	_ =	shalt  }
0x84: {  	_ =	shalt  }
0x85: {  	_ =	shalt  }
0x86: {  	_ =	shalt  }
0x87: {  	_ =	shalt  }
.Lfunc_end0:
.L_simem_size_0:
called_computation_lowered:
.L_overlay_start_0:
0x88: {  	s2 =	sld [smem:$0x3FD9]  }
0x89: {  	s3 =	sld [smem:$0x3FFE];
	_ =	sdelay $0x1  }
0x8a: {  	s1 =	srdreg.scid  }
0x8b: {  	s0 =	sand.u32 $0x1, s1  }
0x8c: {  	s17 =	sshll.u32 s0, $0xA;
	s2 =	sadd.s32 s3, s2  }
0x8d: {  	s2 =	sadd.s32 s2, s17  }
0x8e: {  	[smem:$0x3FC6] =	sst s2  }
0x8f: {  	_ = 	snop  }
0x90: {  	s2 =	sld [smem:$0x3FC9]  }
0x91: {  	s18 =	sld [smem:$0x3FD0];
	(tm) =	ssettm $0x1  }
0x92: {  	s4 =	sld [smem:$0x3FFB];
	_ =	sdelay $0x3  }
0x93: {  	_ =	strace s4  }
0x94: {  	s4 =	sld [smem:$0x3FFC];
	_ =	sdelay $0x3  }
0x95: {  	_ =	strace s4  }
0x96: {  	s4 =	sld [smem:$0x3FFD];
	_ =	sdelay $0x3  }
0x97: {  	_ =	strace s4  }
0x98: {  	_ =	strace $0x8FFFFFFF  }
0x99: {  	s19 =	sld [smem:$0x3FDB];
	_ =	sdelay $0x1  }
0x9a: {  	s5 =	simm.s32 $_scs_section_size  }
0x9b: {  	s6 =	simm.s32 $_size__tile_overlayer_lowered;
	s7 =	simm.s32 $_tile_overlayer_lowered  }
0x9c: {  	s22 =	simm.s32 $0x1BFF;
	s21 =	sshll.u32 s7, $0x1;
	s4 =	sadd.s32 s5, s19  }
0x9d: {  	s8 =	simm.s32 $0x0;
	s20 =	sshll.u32 s6, $0x1;
	s6 =	sadd.s32 s21, s4  }
0x9e: {  	[timem:s8], [sflag:s22] =	dma.local [hbm:s6], s20  }
0x9f: {  	_ =	swait.ge [sflag:s22], s20  }
0xa0: {  	s5 =	ssub.s32 $0x0, s20;
	[sflag:s22] =	ssyncset.done $0x0  }
0xa1: {  	[sflag:s22] =	ssyncadd.s32 s5;
	_ =	sdelay $0x1  }
0xa2: {  	s23 =	simm.s32 $0x1B8B  }
0xa3: {  	_ =	swait.ge [sflag:s23], $0x1  }
0xa4: {  	[sflag:s23] =	ssyncset.done $0x0  }
0xa5: {  	s25 =	simm.s32 $0x1B8E;
	s24 =	sld [smem:$0x3FFE];
	[sflag:s23] =	ssyncadd.s32 $0xFFFFFFFF  }
0xa6: {  	s26 =	simm.s32 $execute0_lowered;
	[smem:$0x3FD2] =	sst s25  }
0xa7: {  	s6 =	sshll.u32 s26, $0x1;
	_ =	strace $0x80000046;
	[dreg:$0x1] =	wrdreg $0xFFFFFFFF  }
0xa8: {  	s28 =	simm.s32 $_size_execute0_lowered;
	s4 =	sadd.s32 s4, s6;
	[dreg:$0x0] =	wrdreg $0x0  }
0xa9: {  	s6 =	sshll.u32 s28, $0x1;
	[dreg:$0x2] =	wrdreg s4  }
0xaa: {  	[dreg:$0x3] =	wrdreg s6  }
0xab: {  	[dreg:$0x4] =	wrdreg $0xC0  }
0xac: {  	_ =	task [dreg:s8], $0x5FFFF  }
0xad: {  	[dreg:$0x1] =	wrdreg $0xFFFFFFFF  }
0xae: {  	[dreg:$0x0] =	wrdreg $0x60  }
0xaf: {  	[dreg:$0x2] =	wrdreg s2  }
0xb0: {  	[dreg:$0x3] =	wrdreg s24  }
0xb1: {  	[dreg:$0x4] =	wrdreg s18  }
0xb2: {  	[dreg:$0x5] =	wrdreg $0x9  }
0xb3: {  	_ =	task.clear_ibuf [dreg:s8], $0x6FFFF;
	_ =	strace $0x90000046  }
0xb4: {  	s29 =	simm.s32 $0x9;
	_ =	strace $0x80000048  }
0xb5: {  	_ =	swait.ge [sflag:s29], $0x1  }
0xb6: {  	[sflag:s29] =	ssyncadd.s32 $0xFFFFFFFF  }
0xb7: {  	_ =	strace $0x90000048  }
0xb8: {  	_ =	sfence  }
0xb9: {  	s30 =	sld [smem:$0x0];
	_ =	sdelay $0x2  }
0xba: {  	s31 =	sshll.u32 s1, $0xD;
	s1 =	sshrl.u32 s1, $0x2  }
0xbb: {  	s3 =	sand.u32 $0x4000, s31;
	s1 =	sadd.s32 s1, s30  }
0xbc: {  	s0 =	sor.u32 s3, s0;
	s1 =	sshll.u32 s1, $0x11  }
0xbd: {  	s0 =	sor.u32 s1, s0  }
0xbe: {  	s0 =	sadd.s32 $0x8F2B, s0  }
0xbf: {  	[sflag:s0] =	ssyncadd.remote.s32 $0x1  }
0xc0: {  	_ =	sfence.sel $0xFFFF  }
0xc1: {  	[dreg:$0x0] =	wrdreg $0xFFFFFFFF;
	(pc) =	sbr.abs _section_cstart, $3  }
0xc2: {  	[dreg:$0x1] =	wrdreg $0xFFFFFFFF  }
0xc3: {  	_ =	task.clear_ibuf [dreg:s8], $0x2FFFF;
	_ =	strace $0x9FFFFFFF  }
0xc4: {  	(tm) =	ssettm $0x7FFFFFFF  }
0xc5: {  	_ =	shalt  }
tec
execute0_lowered:
.L_overlay_start_1:
0x0: {  	(tag) =	ssettag $0x1  }
0x1: {  	s9 =	rddreg [dreg:$0x0]  }
0x2: {  	s0 =	rddreg [dreg:$0x1];
	s3 =	stileid.u32  }
0x3: {  	s1 =	rddreg [dreg:$0x2];
	s4 =	srdreg.scid;
	s2 =	sshrl.u32 s3, $0x3  }
0x4: {  	s5 =	sshll.u32 s3, $0x1;
	s3 =	simm.s32 $0x0;
	s7 =	sand.u32 $0x1, s4  }
0x5: {  	s0 =	sadd.s32 $0x400, s0;
	s6 =	smul.u32 $0x190000, s2;
	s26 =	sand.u32 $0xE, s5  }
0x6: {  	s8 =	sshll.u32 s2, $0x9;
	[smem:$0x7FF] =	sst s3;
	s5 =	sor.u32 s7, s26  }
0x7: {  	_ =	strace $0x80000047;
	s7 =	ssub.s32 $0x2, s7;
	s6 =	sand.u32 $0x1E0000, s6  }
0x8: {  	s4 =	sshll.u32 s5, $0xD;
	s28 =	sshrl.u32 s7, $0x1;
	s6 =	sor.u32 s8, s6  }
0x9: {  	[dreg:$0x4] =	wrdreg s0;
	s0 =	ssub.s32 s7, s28;
	s6 =	sor.u32 s4, s6  }
0xa: {  	s30 =	sshll.u32 s5, $0xA;
	s0 =	smax.u32 s0, $0x1;
	s29 =	sshrl.u32 s6, $0x3  }
0xb: {  	s6 =	smul.u32 $0x64, s2;
	[dreg:$0x7] =	wrdreg s0;
	s8 =	sadd.s32 s9, s29  }
0xc: {  	s2 =	simm.s32 $0x0;
	[dreg:$0x5] =	wrdreg s8;
	s31 =	sadd.s32 $0x10, s8  }
0xd: {  	s9 =	sadd.s32 s1, s30;
	s10 =	sor.u32 $0x2, s6;
	[dreg:$0x6] =	wrdreg s31  }
.LBB2_1:
0xe: {  	[dreg:$0x8] =	wrdreg s2  }
0xf: {  	s0 =	rddreg [dreg:$0x4];
	s26 =	simm.s32 $0x5  }
0x10: {  	[tilespmem:s3], [sflag:$0x5] =	stream.linear.gather [hbm4b:s0+s3], $0x200, $0x38;
	[tilespmem:$0x10A00] =	vst v63  }
0x11: {  	_ =	swait.ge [sflag:s26], $0x200  }
0x12: {  	s1 =	simm.s32 $0x80;
	s29 =	simm.s32 $0x400;
	[sflag:s26] =	ssyncset.done $0x0  }
0x13: {  	s5 =	simm.s32 $0x200;
	s28 =	rddreg [dreg:$0x5];
	[sflag:s26] =	ssyncadd.s32 $0xFFFFFE00  }
0x14: {  	[tilespmem:s5], [sflag:$0x1] =	stream.strided.gather [hbm4b:s28+s1], $0x400, s29, s1, $0x38;
	[tilespmem:$0x10A00] =	vst v63  }
0x15: {  	s31 =	simm.s32 $0x600;
	s22 =	simm.s32 $0x0;
	s30 =	rddreg [dreg:$0x6]  }
0x16: {  	[tilespmem:s31], [sflag:$0x2] =	stream.strided.gather [hbm4b:s30+s1], $0x400, s29, s1, $0x38;
	[tilespmem:$0x10A00] =	vst v63  }
.LBB2_2:
0x17: {  	s25 =	sand.u32 $0x1, s22  }
0x18: {  	s23 =	sadd.s32 $0x1, s25  }
0x19: {  	p0 =	slt.u32 s22, $0x2;
	s2 =	simm.s32 $0x0;
	_ =	swait.ge [sflag:s23], $0x400  }
0x1a: {  	s0 =	sshll.u32 s25, $0xA;
	s5 =	sadd.s32 @!p0 $0x3, s25;
	[sflag:s23] =	ssyncset.done $0x0  }
0x1b: {  	s1 =	sand.u32 $0xE00, s2;
	s24 =	sor.u32 $0x200, s0;
	[sflag:s23] =	ssyncadd.s32 $0xFFFFFC00  }
0x1c: {  	s0 =	sand.u32 $0x60, s2;
	s1 =	sshrl.u32 s1, $0x2;
	_ =	swait.ge @!p0 [sflag:s5], $0x8000  }
0x1d: {  	s7 =	sadd.s32 s1, s24;
	s1 =	sor.u32 $0x10, s0;
	[sflag:s5] =	ssyncset.done @!p0 $0x0  }
0x1e: {  	s18 =	sadd.s32 s1, s7;
	[sflag:s5] =	ssyncadd.s32 @!p0 $0xFFFF8000  }
0x1f: {  	v4 =	vld [tilespmem:s18+$0x0];
	_ =	sdelay $0x7  }
0x20: {  	v0 =	vld.idx.msk [tilespmem:v4+s3+$0x0], $0xffff  }
0x21: {  	s19 =	sshll.u32 s25, $0xF;
	s20 =	sadd.s32 s0, s7;
	v1 =	vadd.s32 $0x10, v4  }
0x22: {  	s26 =	sor.u32 $0xA00, s19;
	s2 =	sand.u32 $0x1C00, s2;
	v3 =	vld [tilespmem:s20+$0x0]  }
0x23: {  	s5 =	sadd.s32 s2, s26  }
0x24: {  	s2 =	sadd.s32 s1, s5  }
0x25: {  	[tilespmem:s2+$0x0] =	vst v0  }
0x26: {  	v0 =	vld.idx.msk [tilespmem:v1+s3+$0x0], $0xffff  }
0x27: {  	v1 =	vadd.s32 $0x20, v4;
	_ =	sdelay $0x2  }
0x28: {  	v2 =	vld.idx.msk [tilespmem:v3+s3+$0x0], $0xffff  }
0x29: {  	[tilespmem:s2+$0x80] =	vst v0;
	v0 =	vadd.s32 $0x10, v3  }
0x2a: {  	v1 =	vld.idx.msk [tilespmem:v1+s3+$0x0], $0xffff  }
0x2b: {  	v5 =	vadd.s32 $0x30, v4  }
0x2c: {  	s21 =	sadd.s32 s0, s5  }
0x2d: {  	[tilespmem:s21+$0x0] =	vst v2  }
0x2e: {  	v0 =	vld.idx.msk [tilespmem:v0+s3+$0x0], $0xffff  }
0x2f: {  	[tilespmem:s2+$0x100] =	vst v1;
	v1 =	vadd.s32 $0x20, v3  }
0x30: {  	v2 =	vld.idx.msk [tilespmem:v5+s3+$0x0], $0xffff  }
0x31: {  	v5 =	vadd.s32 $0x40, v4;
	_ =	sdelay $0x1  }
0x32: {  	[tilespmem:s21+$0x80] =	vst v0  }
0x33: {  	v0 =	vld.idx.msk [tilespmem:v1+s3+$0x0], $0xffff  }
0x34: {  	v1 =	vadd.s32 $0x30, v3;
	[tilespmem:s2+$0x180] =	vst v2  }
0x35: {  	v2 =	vld.idx.msk [tilespmem:v5+s3+$0x0], $0xffff  }
0x36: {  	v5 =	vadd.s32 $0x50, v4;
	_ =	sdelay $0x1  }
0x37: {  	[tilespmem:s21+$0x100] =	vst v0  }
0x38: {  	v0 =	vld.idx.msk [tilespmem:v1+s3+$0x0], $0xffff  }
0x39: {  	v1 =	vadd.s32 $0x40, v3;
	[tilespmem:s2+$0x200] =	vst v2  }
0x3a: {  	v2 =	vld.idx.msk [tilespmem:v5+s3+$0x0], $0xffff  }
0x3b: {  	v5 =	vadd.s32 $0x60, v4;
	_ =	sdelay $0x1  }
0x3c: {  	[tilespmem:s21+$0x180] =	vst v0  }
0x3d: {  	v0 =	vld.idx.msk [tilespmem:v1+s3+$0x0], $0xffff  }
0x3e: {  	v1 =	vadd.s32 $0x50, v3;
	[tilespmem:s2+$0x280] =	vst v2  }
0x3f: {  	v2 =	vld.idx.msk [tilespmem:v5+s3+$0x0], $0xffff  }
0x40: {  	v5 =	vadd.s32 $0x70, v4;
	_ =	sdelay $0x1  }
0x41: {  	[tilespmem:s21+$0x200] =	vst v0  }
0x42: {  	v0 =	vld.idx.msk [tilespmem:v1+s3+$0x0], $0xffff  }
0x43: {  	v1 =	vadd.s32 $0x60, v3;
	[tilespmem:s2+$0x300] =	vst v2  }
0x44: {  	s8 =	simm.s32 $0x80;
	v2 =	vld.idx.msk [tilespmem:v5+s3+$0x0], $0xffff  }
0x45: {  	s11 =	simm.s32 $0x20;
	s8 =	sand.u32 $0xE00, s8;
	v5 =	vadd.s32 $0x80, v4  }
0x46: {  	s14 =	sand.u32 $0x60, s11;
	s8 =	sshrl.u32 s8, $0x2  }
0x47: {  	s13 =	sor.u32 $0x10, s14;
	s16 =	sadd.s32 s8, s24;
	[tilespmem:s21+$0x280] =	vst v0  }
0x48: {  	s8 =	sadd.s32 s13, s16;
	v1 =	vld.idx.msk [tilespmem:v1+s3+$0x0], $0xffff  }
0x49: {  	v0 =	vld [tilespmem:s8+$0x0];
	[tilespmem:s2+$0x380] =	vst v2;
	v2 =	vadd.s32 $0x70, v3  }
0x4a: {  	v5 =	vld.idx.msk [tilespmem:v5+s3+$0x0], $0xffff  }
0x4b: {  	v7 =	vadd.s32 $0x90, v4;
	_ =	sdelay $0x1  }
0x4c: {  	s15 =	sadd.s32 $0x2000, s5;
	[tilespmem:s21+$0x300] =	vst v1  }
0x4d: {  	s12 =	sadd.s32 s1, s15;
	s2 =	sadd.s32 s14, s16;
	v1 =	vld.idx.msk [tilespmem:v2+s3+$0x0], $0xffff  }
0x4e: {  	v6 =	vld [tilespmem:s2+$0x0];
	v2 =	vadd.s32 $0x80, v3;
	[tilespmem:s12+$0x0] =	vst v5  }
0x4f: {  	v5 =	vld.idx.msk [tilespmem:v7+s3+$0x0], $0xffff  }
0x50: {  	v7 =	vadd.s32 $0xA0, v4  }
0x51: {  	v8 =	vld.idx.msk [tilespmem:v0+s3+$0x0], $0xffff  }
0x52: {  	s17 =	simm.s32 $0x100;
	[tilespmem:s21+$0x380] =	vst v1;
	v1 =	vadd.s32 $0x10, v0  }
0x53: {  	s2 =	sand.u32 $0x1C00, s17;
	v2 =	vld.idx.msk [tilespmem:v2+s3+$0x0], $0xffff  }
0x54: {  	v9 =	vadd.s32 $0x90, v3;
	s8 =	sadd.s32 s2, s26;
	[tilespmem:s12+$0x80] =	vst v5  }
0x55: {  	s18 =	sadd.s32 s13, s8;
	v5 =	vld.idx.msk [tilespmem:v7+s3+$0x0], $0xffff  }
0x56: {  	[tilespmem:s18+$0x0] =	vst v8;
	v8 =	vadd.s32 $0xB0, v4;
	v7 =	vld.idx.msk [tilespmem:v6+s3+$0x0], $0xffff  }
0x57: {  	s19 =	sadd.s32 s0, s15;
	v10 =	vadd.s32 $0x10, v6;
	v1 =	vld.idx.msk [tilespmem:v1+s3+$0x0], $0xffff  }
0x58: {  	[tilespmem:s19+$0x0] =	vst v2;
	v2 =	vadd.s32 $0x20, v0  }
0x59: {  	v9 =	vld.idx.msk [tilespmem:v9+s3+$0x0], $0xffff  }
0x5a: {  	v11 =	vadd.s32 $0xA0, v3;
	s2 =	sadd.s32 s14, s8;
	[tilespmem:s12+$0x100] =	vst v5  }
0x5b: {  	[tilespmem:s2+$0x0] =	vst v7;
	v5 =	vld.idx.msk [tilespmem:v8+s3+$0x0], $0xffff  }
0x5c: {  	v7 =	vld.idx.msk [tilespmem:v10+s3+$0x0], $0xffff;
	[tilespmem:s18+$0x80] =	vst v1;
	v1 =	vadd.s32 $0xC0, v4  }
0x5d: {  	v8 =	vadd.s32 $0x20, v6;
	v2 =	vld.idx.msk [tilespmem:v2+s3+$0x0], $0xffff  }
0x5e: {  	[tilespmem:s19+$0x80] =	vst v9  }
0x5f: {  	v9 =	vadd.s32 $0x30, v0;
	v10 =	vld.idx.msk [tilespmem:v11+s3+$0x0], $0xffff  }
0x60: {  	v11 =	vadd.s32 $0xB0, v3;
	[tilespmem:s12+$0x180] =	vst v5  }
0x61: {  	[tilespmem:s2+$0x80] =	vst v7;
	v1 =	vld.idx.msk [tilespmem:v1+s3+$0x0], $0xffff  }
0x62: {  	v5 =	vld.idx.msk [tilespmem:v8+s3+$0x0], $0xffff;
	[tilespmem:s18+$0x100] =	vst v2;
	v2 =	vadd.s32 $0xD0, v4  }
0x63: {  	v7 =	vadd.s32 $0x30, v6  }
0x64: {  	v8 =	vld.idx.msk [tilespmem:v9+s3+$0x0], $0xffff;
	[tilespmem:s19+$0x100] =	vst v10  }
0x65: {  	v9 =	vadd.s32 $0x40, v0;
	v10 =	vld.idx.msk [tilespmem:v11+s3+$0x0], $0xffff  }
0x66: {  	v11 =	vadd.s32 $0xC0, v3;
	[tilespmem:s12+$0x200] =	vst v1  }
0x67: {  	[tilespmem:s2+$0x100] =	vst v5;
	v1 =	vld.idx.msk [tilespmem:v2+s3+$0x0], $0xffff  }
0x68: {  	v5 =	vadd.s32 $0xE0, v4;
	v2 =	vld.idx.msk [tilespmem:v7+s3+$0x0], $0xffff  }
0x69: {  	v7 =	vadd.s32 $0x40, v6;
	[tilespmem:s18+$0x180] =	vst v8  }
0x6a: {  	v8 =	vld.idx.msk [tilespmem:v9+s3+$0x0], $0xffff;
	[tilespmem:s19+$0x180] =	vst v10  }
0x6b: {  	v9 =	vadd.s32 $0x50, v0;
	v10 =	vld.idx.msk [tilespmem:v11+s3+$0x0], $0xffff  }
0x6c: {  	v11 =	vadd.s32 $0xD0, v3;
	[tilespmem:s12+$0x280] =	vst v1  }
0x6d: {  	[tilespmem:s2+$0x180] =	vst v2;
	v1 =	vld.idx.msk [tilespmem:v5+s3+$0x0], $0xffff  }
0x6e: {  	v2 =	vld.idx.msk [tilespmem:v7+s3+$0x0], $0xffff;
	v5 =	vadd.s32 $0xF0, v4  }
0x6f: {  	v7 =	vadd.s32 $0x50, v6;
	[tilespmem:s18+$0x200] =	vst v8  }
0x70: {  	v8 =	vld.idx.msk [tilespmem:v9+s3+$0x0], $0xffff;
	[tilespmem:s19+$0x200] =	vst v10  }
0x71: {  	v9 =	vadd.s32 $0x60, v0;
	v10 =	vld.idx.msk [tilespmem:v11+s3+$0x0], $0xffff  }
0x72: {  	v11 =	vadd.s32 $0xE0, v3;
	[tilespmem:s12+$0x300] =	vst v1  }
0x73: {  	[tilespmem:s2+$0x200] =	vst v2;
	v1 =	vld.idx.msk [tilespmem:v5+s3+$0x0], $0xffff  }
0x74: {  	v2 =	vld.idx.msk [tilespmem:v7+s3+$0x0], $0xffff;
	v5 =	vadd.s32 $0x100, v4  }
0x75: {  	v7 =	vadd.s32 $0x60, v6;
	[tilespmem:s18+$0x280] =	vst v8  }
0x76: {  	v8 =	vld.idx.msk [tilespmem:v9+s3+$0x0], $0xffff;
	[tilespmem:s19+$0x280] =	vst v10  }
0x77: {  	v9 =	vadd.s32 $0x70, v0;
	v10 =	vld.idx.msk [tilespmem:v11+s3+$0x0], $0xffff  }
0x78: {  	v11 =	vadd.s32 $0xF0, v3;
	[tilespmem:s12+$0x380] =	vst v1  }
0x79: {  	[tilespmem:s2+$0x280] =	vst v2;
	v1 =	vld.idx.msk [tilespmem:v5+s3+$0x0], $0xffff  }
0x7a: {  	v2 =	vld.idx.msk [tilespmem:v7+s3+$0x0], $0xffff;
	v5 =	vadd.s32 $0x110, v4  }
0x7b: {  	v7 =	vadd.s32 $0x70, v6;
	[tilespmem:s18+$0x300] =	vst v8  }
0x7c: {  	s20 =	simm.s32 $0x100;
	s16 =	sadd.s32 $0x4000, s5;
	v8 =	vld.idx.msk [tilespmem:v9+s3+$0x0], $0xffff;
	[tilespmem:s19+$0x300] =	vst v10  }
0x7d: {  	s15 =	sand.u32 $0xE00, s20;
	s17 =	simm.s32 $0x40;
	s12 =	sadd.s32 s1, s16;
	v9 =	vadd.s32 $0x80, v0;
	v10 =	vld.idx.msk [tilespmem:v11+s3+$0x0], $0xffff  }
0x7e: {  	s15 =	sshrl.u32 s15, $0x2;
	s28 =	sand.u32 $0x60, s17;
	v11 =	vadd.s32 $0x100, v3;
	[tilespmem:s12+$0x0] =	vst v1  }
0x7f: {  	s29 =	sor.u32 $0x10, s28;
	s21 =	sadd.s32 s15, s24;
	[tilespmem:s2+$0x300] =	vst v2;
	v2 =	vld.idx.msk [tilespmem:v5+s3+$0x0], $0xffff  }
0x80: {  	s15 =	sadd.s32 s29, s21;
	v5 =	vld.idx.msk [tilespmem:v7+s3+$0x0], $0xffff;
	v7 =	vadd.s32 $0x120, v4  }
0x81: {  	v1 =	vld [tilespmem:s15+$0x0];
	[tilespmem:s18+$0x380] =	vst v8  }
0x82: {  	v8 =	vld.idx.msk [tilespmem:v9+s3+$0x0], $0xffff;
	v9 =	vadd.s32 $0x80, v6;
	[tilespmem:s19+$0x380] =	vst v10  }
0x83: {  	s11 =	sadd.s32 s28, s21;
	v10 =	vld.idx.msk [tilespmem:v11+s3+$0x0], $0xffff;
	v11 =	vadd.s32 $0x90, v0  }
0x84: {  	v12 =	vadd.s32 $0x110, v3;
	v16 =	vld [tilespmem:s11+$0x0];
	[tilespmem:s12+$0x80] =	vst v2  }
0x85: {  	s15 =	sadd.s32 $0x2000, s8;
	v2 =	vld.idx.msk [tilespmem:v7+s3+$0x0], $0xffff  }
0x86: {  	s17 =	sadd.s32 s13, s15;
	[tilespmem:s2+$0x380] =	vst v5;
	v5 =	vadd.s32 $0x130, v4  }
0x87: {  	s18 =	sadd.s32 s0, s16;
	v7 =	vld.idx.msk [tilespmem:v9+s3+$0x0], $0xffff;
	[tilespmem:s17+$0x0] =	vst v8  }
0x88: {  	v8 =	vadd.s32 $0x90, v6;
	[tilespmem:s18+$0x0] =	vst v10;
	v9 =	vld.idx.msk [tilespmem:v11+s3+$0x0], $0xffff  }
0x89: {  	v11 =	vadd.s32 $0xA0, v0;
	v10 =	vld.idx.msk [tilespmem:v12+s3+$0x0], $0xffff  }
0x8a: {  	v13 =	vld.idx.msk [tilespmem:v1+s3+$0x0], $0xffff;
	v12 =	vadd.s32 $0x120, v3;
	[tilespmem:s12+$0x100] =	vst v2  }
0x8b: {  	s7 =	sadd.s32 s14, s15;
	s19 =	simm.s32 $0x200;
	v2 =	vld.idx.msk [tilespmem:v5+s3+$0x0], $0xffff;
	v5 =	vadd.s32 $0x10, v1  }
0x8c: {  	v14 =	vadd.s32 $0x140, v4;
	s2 =	sand.u32 $0x1C00, s19;
	[tilespmem:s7+$0x0] =	vst v7;
	v7 =	vld.idx.msk [tilespmem:v16+s3+$0x0], $0xffff  }
0x8d: {  	v15 =	vadd.s32 $0x10, v16;
	s30 =	sadd.s32 s2, s26;
	v8 =	vld.idx.msk [tilespmem:v8+s3+$0x0], $0xffff;
	[tilespmem:s17+$0x80] =	vst v9  }
0x8e: {  	s20 =	sadd.s32 s29, s30;
	v9 =	vadd.s32 $0xA0, v6;
	[tilespmem:s18+$0x80] =	vst v10;
	v10 =	vld.idx.msk [tilespmem:v11+s3+$0x0], $0xffff  }
0x8f: {  	[tilespmem:s20+$0x0] =	vst v13;
	v11 =	vadd.s32 $0xB0, v0;
	v12 =	vld.idx.msk [tilespmem:v12+s3+$0x0], $0xffff  }
0x90: {  	s2 =	sadd.s32 s28, s30;
	v13 =	vadd.s32 $0x130, v3;
	v5 =	vld.idx.msk [tilespmem:v5+s3+$0x0], $0xffff;
	[tilespmem:s12+$0x180] =	vst v2  }
0x91: {  	[tilespmem:s2+$0x0] =	vst v7;
	v7 =	vadd.s32 $0x20, v1;
	v2 =	vld.idx.msk [tilespmem:v14+s3+$0x0], $0xffff  }
0x92: {  	v14 =	vld.idx.msk [tilespmem:v15+s3+$0x0], $0xffff;
	[tilespmem:s7+$0x80] =	vst v8;
	v8 =	vadd.s32 $0x150, v4  }
0x93: {  	v15 =	vadd.s32 $0x20, v16;
	v9 =	vld.idx.msk [tilespmem:v9+s3+$0x0], $0xffff;
	[tilespmem:s17+$0x100] =	vst v10  }
0x94: {  	v10 =	vadd.s32 $0xB0, v6;
	v11 =	vld.idx.msk [tilespmem:v11+s3+$0x0], $0xffff;
	[tilespmem:s18+$0x100] =	vst v12  }
0x95: {  	[tilespmem:s20+$0x80] =	vst v5;
	v5 =	vadd.s32 $0xC0, v0;
	v12 =	vld.idx.msk [tilespmem:v13+s3+$0x0], $0xffff  }
0x96: {  	v13 =	vadd.s32 $0x140, v3;
	v7 =	vld.idx.msk [tilespmem:v7+s3+$0x0], $0xffff;
	[tilespmem:s12+$0x200] =	vst v2  }
0x97: {  	[tilespmem:s2+$0x80] =	vst v14;
	v2 =	vld.idx.msk [tilespmem:v8+s3+$0x0], $0xffff;
	v8 =	vadd.s32 $0x30, v1  }
0x98: {  	v14 =	vld.idx.msk [tilespmem:v15+s3+$0x0], $0xffff;
	[tilespmem:s7+$0x100] =	vst v9;
	v9 =	vadd.s32 $0x160, v4  }
0x99: {  	v15 =	vadd.s32 $0x30, v16;
	v10 =	vld.idx.msk [tilespmem:v10+s3+$0x0], $0xffff;
	[tilespmem:s17+$0x180] =	vst v11  }
0x9a: {  	v11 =	vadd.s32 $0xC0, v6;
	v5 =	vld.idx.msk [tilespmem:v5+s3+$0x0], $0xffff;
	[tilespmem:s18+$0x180] =	vst v12  }
0x9b: {  	[tilespmem:s20+$0x100] =	vst v7;
	v7 =	vadd.s32 $0xD0, v0;
	v12 =	vld.idx.msk [tilespmem:v13+s3+$0x0], $0xffff  }
0x9c: {  	v13 =	vadd.s32 $0x150, v3;
	v8 =	vld.idx.msk [tilespmem:v8+s3+$0x0], $0xffff;
	[tilespmem:s12+$0x280] =	vst v2  }
0x9d: {  	[tilespmem:s2+$0x100] =	vst v14;
	v2 =	vld.idx.msk [tilespmem:v9+s3+$0x0], $0xffff;
	v9 =	vadd.s32 $0x40, v1  }
0x9e: {  	v14 =	vld.idx.msk [tilespmem:v15+s3+$0x0], $0xffff;
	[tilespmem:s7+$0x180] =	vst v10;
	v10 =	vadd.s32 $0x170, v4  }
0x9f: {  	v15 =	vadd.s32 $0x40, v16;
	v11 =	vld.idx.msk [tilespmem:v11+s3+$0x0], $0xffff;
	[tilespmem:s17+$0x200] =	vst v5  }
0xa0: {  	v5 =	vadd.s32 $0xD0, v6;
	v7 =	vld.idx.msk [tilespmem:v7+s3+$0x0], $0xffff;
	[tilespmem:s18+$0x200] =	vst v12  }
0xa1: {  	[tilespmem:s20+$0x180] =	vst v8;
	v8 =	vadd.s32 $0xE0, v0;
	v12 =	vld.idx.msk [tilespmem:v13+s3+$0x0], $0xffff  }
0xa2: {  	v13 =	vadd.s32 $0x160, v3;
	v9 =	vld.idx.msk [tilespmem:v9+s3+$0x0], $0xffff;
	[tilespmem:s12+$0x300] =	vst v2  }
0xa3: {  	[tilespmem:s2+$0x180] =	vst v14;
	v2 =	vld.idx.msk [tilespmem:v10+s3+$0x0], $0xffff;
	v10 =	vadd.s32 $0x50, v1  }
0xa4: {  	v14 =	vld.idx.msk [tilespmem:v15+s3+$0x0], $0xffff;
	[tilespmem:s7+$0x200] =	vst v11;
	v11 =	vadd.s32 $0x180, v4  }
0xa5: {  	v15 =	vadd.s32 $0x50, v16;
	v5 =	vld.idx.msk [tilespmem:v5+s3+$0x0], $0xffff;
	[tilespmem:s17+$0x280] =	vst v7  }
0xa6: {  	v7 =	vadd.s32 $0xE0, v6;
	v8 =	vld.idx.msk [tilespmem:v8+s3+$0x0], $0xffff;
	[tilespmem:s18+$0x280] =	vst v12  }
0xa7: {  	[tilespmem:s20+$0x200] =	vst v9;
	v9 =	vadd.s32 $0xF0, v0;
	v12 =	vld.idx.msk [tilespmem:v13+s3+$0x0], $0xffff  }
0xa8: {  	v13 =	vadd.s32 $0x170, v3;
	v10 =	vld.idx.msk [tilespmem:v10+s3+$0x0], $0xffff;
	[tilespmem:s12+$0x380] =	vst v2  }
0xa9: {  	[tilespmem:s2+$0x200] =	vst v14;
	v2 =	vld.idx.msk [tilespmem:v11+s3+$0x0], $0xffff;
	v11 =	vadd.s32 $0x60, v1  }
0xaa: {  	v14 =	vld.idx.msk [tilespmem:v15+s3+$0x0], $0xffff;
	[tilespmem:s7+$0x280] =	vst v5;
	v5 =	vadd.s32 $0x190, v4  }
0xab: {  	v15 =	vadd.s32 $0x60, v16;
	v7 =	vld.idx.msk [tilespmem:v7+s3+$0x0], $0xffff;
	[tilespmem:s17+$0x300] =	vst v8  }
0xac: {  	s5 =	sadd.s32 $0x6000, s5;
	v8 =	vadd.s32 $0xF0, v6;
	v9 =	vld.idx.msk [tilespmem:v9+s3+$0x0], $0xffff;
	[tilespmem:s18+$0x300] =	vst v12  }
0xad: {  	s19 =	sadd.s32 s1, s5;
	[tilespmem:s20+$0x280] =	vst v10;
	v10 =	vadd.s32 $0x100, v0;
	v12 =	vld.idx.msk [tilespmem:v13+s3+$0x0], $0xffff  }
0xae: {  	v13 =	vadd.s32 $0x180, v3;
	v11 =	vld.idx.msk [tilespmem:v11+s3+$0x0], $0xffff;
	[tilespmem:s19+$0x0] =	vst v2  }
0xaf: {  	[tilespmem:s2+$0x280] =	vst v14;
	v2 =	vld.idx.msk [tilespmem:v5+s3+$0x0], $0xffff;
	v5 =	vadd.s32 $0x70, v1  }
0xb0: {  	v14 =	vld.idx.msk [tilespmem:v15+s3+$0x0], $0xffff;
	[tilespmem:s7+$0x300] =	vst v7;
	v7 =	vadd.s32 $0x1A0, v4  }
0xb1: {  	v15 =	vadd.s32 $0x70, v16;
	v8 =	vld.idx.msk [tilespmem:v8+s3+$0x0], $0xffff;
	[tilespmem:s17+$0x380] =	vst v9  }
0xb2: {  	v9 =	vadd.s32 $0x100, v6;
	v10 =	vld.idx.msk [tilespmem:v10+s3+$0x0], $0xffff;
	[tilespmem:s18+$0x380] =	vst v12  }
0xb3: {  	[tilespmem:s20+$0x300] =	vst v11;
	v11 =	vadd.s32 $0x110, v0;
	v12 =	vld.idx.msk [tilespmem:v13+s3+$0x0], $0xffff  }
0xb4: {  	v13 =	vadd.s32 $0x190, v3;
	v5 =	vld.idx.msk [tilespmem:v5+s3+$0x0], $0xffff;
	[tilespmem:s19+$0x80] =	vst v2  }
0xb5: {  	s21 =	sadd.s32 $0x4000, s8;
	[tilespmem:s2+$0x300] =	vst v14;
	v2 =	vld.idx.msk [tilespmem:v7+s3+$0x0], $0xffff;
	v7 =	vadd.s32 $0x80, v1  }
0xb6: {  	s18 =	sadd.s32 s13, s21;
	v14 =	vld.idx.msk [tilespmem:v15+s3+$0x0], $0xffff;
	[tilespmem:s7+$0x380] =	vst v8;
	s7 =	simm.s32 $0x180  }
0xb7: {  	s31 =	sadd.s32 s0, s5;
	s16 =	simm.s32 $0x60;
	v9 =	vld.idx.msk [tilespmem:v9+s3+$0x0], $0xffff;
	s12 =	sand.u32 $0xE00, s7;
	[tilespmem:s18+$0x0] =	vst v10  }
0xb8: {  	s0 =	sand.u32 $0x60, s16;
	v8 =	vadd.s32 $0x1B0, v4;
	s1 =	sshrl.u32 s12, $0x2;
	v10 =	vld.idx.msk [tilespmem:v11+s3+$0x0], $0xffff;
	[tilespmem:s31+$0x0] =	vst v12  }
0xb9: {  	v12 =	vadd.s32 $0x80, v16;
	s15 =	sadd.s32 s1, s24;
	s1 =	sor.u32 $0x10, s0;
	[tilespmem:s20+$0x380] =	vst v5;
	v11 =	vld.idx.msk [tilespmem:v13+s3+$0x0], $0xffff  }
0xba: {  	v5 =	vadd.s32 $0x120, v0;
	s17 =	sadd.s32 s1, s15;
	v7 =	vld.idx.msk [tilespmem:v7+s3+$0x0], $0xffff  }
0xbb: {  	v13 =	vadd.s32 $0x110, v6;
	s5 =	sadd.s32 s0, s15;
	[tilespmem:s19+$0x100] =	vst v2;
	v2 =	vld [tilespmem:s17+$0x0]  }
0xbc: {  	v17 =	vadd.s32 $0x1A0, v3;
	s12 =	sadd.s32 s14, s21;
	v36 =	vld [tilespmem:s5+$0x0];
	[tilespmem:s2+$0x380] =	vst v14  }
0xbd: {  	v15 =	vadd.s32 $0x90, v1;
	v8 =	vld.idx.msk [tilespmem:v8+s3+$0x0], $0xffff;
	[tilespmem:s12+$0x0] =	vst v9  }
0xbe: {  	s20 =	sadd.s32 $0x2000, s30;
	[tilespmem:s18+$0x80] =	vst v10;
	v10 =	vadd.s32 $0x1C0, v4;
	v9 =	vld.idx.msk [tilespmem:v12+s3+$0x0], $0xffff  }
0xbf: {  	s21 =	sadd.s32 s29, s20;
	v5 =	vld.idx.msk [tilespmem:v5+s3+$0x0], $0xffff;
	[tilespmem:s31+$0x80] =	vst v11  }
0xc0: {  	v12 =	vadd.s32 $0x130, v0;
	[tilespmem:s21+$0x0] =	vst v7;
	v7 =	vld.idx.msk [tilespmem:v13+s3+$0x0], $0xffff  }
0xc1: {  	v14 =	vld.idx.msk [tilespmem:v17+s3+$0x0], $0xffff  }
0xc2: {  	s2 =	sadd.s32 s28, s20;
	v13 =	vld.idx.msk [tilespmem:v15+s3+$0x0], $0xffff;
	[tilespmem:s19+$0x180] =	vst v8;
	v8 =	vadd.s32 $0x90, v16  }
0xc3: {  	v11 =	vadd.s32 $0xA0, v1;
	v10 =	vld.idx.msk [tilespmem:v10+s3+$0x0], $0xffff;
	[tilespmem:s2+$0x0] =	vst v9  }
0xc4: {  	v17 =	vadd.s32 $0x120, v6;
	v15 =	vld.idx.msk [tilespmem:v2+s3+$0x0], $0xffff;
	[tilespmem:s18+$0x100] =	vst v5  }
0xc5: {  	s5 =	simm.s32 $0x300;
	v5 =	vadd.s32 $0x1D0, v4;
	v9 =	vld.idx.msk [tilespmem:v12+s3+$0x0], $0xffff;
	[tilespmem:s12+$0x80] =	vst v7  }
0xc6: {  	s20 =	sand.u32 $0x1C00, s5;
	v18 =	vadd.s32 $0x10, v2;
	v12 =	vld.idx.msk [tilespmem:v36+s3+$0x0], $0xffff;
	[tilespmem:s31+$0x100] =	vst v14  }
0xc7: {  	s15 =	sadd.s32 s20, s26;
	v7 =	vld.idx.msk [tilespmem:v8+s3+$0x0], $0xffff;
	[tilespmem:s21+$0x80] =	vst v13;
	v8 =	vadd.s32 $0x140, v0  }
0xc8: {  	s7 =	sadd.s32 s1, s15;
	v13 =	vadd.s32 $0x10, v36;
	v11 =	vld.idx.msk [tilespmem:v11+s3+$0x0], $0xffff;
	[tilespmem:s19+$0x200] =	vst v10  }
0xc9: {  	v10 =	vadd.s32 $0xA0, v16;
	[tilespmem:s7+$0x0] =	vst v15;
	v15 =	vld.idx.msk [tilespmem:v17+s3+$0x0], $0xffff  }
0xca: {  	s11 =	sadd.s32 s0, s15;
	v14 =	vadd.s32 $0xB0, v1;
	v5 =	vld.idx.msk [tilespmem:v5+s3+$0x0], $0xffff;
	[tilespmem:s18+$0x180] =	vst v9  }
0xcb: {  	v17 =	vld.idx.msk [tilespmem:v18+s3+$0x0], $0xffff;
	v18 =	vadd.s32 $0x130, v6;
	[tilespmem:s11+$0x0] =	vst v12  }
0xcc: {  	v9 =	vadd.s32 $0x1E0, v4;
	v8 =	vld.idx.msk [tilespmem:v8+s3+$0x0], $0xffff;
	[tilespmem:s2+$0x80] =	vst v7  }
0xcd: {  	v12 =	vld.idx.msk [tilespmem:v13+s3+$0x0], $0xffff;
	v13 =	vadd.s32 $0x20, v2;
	[tilespmem:s21+$0x100] =	vst v11  }
0xce: {  	v11 =	vadd.s32 $0x20, v36;
	v7 =	vld.idx.msk [tilespmem:v10+s3+$0x0], $0xffff;
	[tilespmem:s12+$0x100] =	vst v15  }
0xcf: {  	v10 =	vadd.s32 $0x150, v0;
	v14 =	vld.idx.msk [tilespmem:v14+s3+$0x0], $0xffff;
	[tilespmem:s19+$0x280] =	vst v5  }
0xd0: {  	v5 =	vadd.s32 $0xB0, v16;
	[tilespmem:s7+$0x80] =	vst v17;
	v17 =	vld.idx.msk [tilespmem:v18+s3+$0x0], $0xffff  }
0xd1: {  	v15 =	vadd.s32 $0xC0, v1;
	v9 =	vld.idx.msk [tilespmem:v9+s3+$0x0], $0xffff;
	[tilespmem:s18+$0x200] =	vst v8  }
0xd2: {  	v4 =	vadd.s32 $0x1F0, v4;
	v13 =	vld.idx.msk [tilespmem:v13+s3+$0x0], $0xffff;
	[tilespmem:s11+$0x80] =	vst v12  }
0xd3: {  	v8 =	vadd.s32 $0x140, v6;
	v11 =	vld.idx.msk [tilespmem:v11+s3+$0x0], $0xffff;
	[tilespmem:s2+$0x100] =	vst v7  }
0xd4: {  	v12 =	vadd.s32 $0x30, v2;
	v10 =	vld.idx.msk [tilespmem:v10+s3+$0x0], $0xffff;
	[tilespmem:s21+$0x180] =	vst v14  }
0xd5: {  	v14 =	vadd.s32 $0x30, v36;
	v5 =	vld.idx.msk [tilespmem:v5+s3+$0x0], $0xffff;
	[tilespmem:s12+$0x180] =	vst v17  }
0xd6: {  	v7 =	vadd.s32 $0x160, v0;
	v15 =	vld.idx.msk [tilespmem:v15+s3+$0x0], $0xffff;
	[tilespmem:s19+$0x300] =	vst v9  }
0xd7: {  	v9 =	vadd.s32 $0xC0, v16;
	v4 =	vld.idx.msk [tilespmem:v4+s3+$0x0], $0xffff;
	[tilespmem:s7+$0x100] =	vst v13  }
0xd8: {  	v13 =	vadd.s32 $0xD0, v1;
	v8 =	vld.idx.msk [tilespmem:v8+s3+$0x0], $0xffff;
	[tilespmem:s11+$0x100] =	vst v11  }
0xd9: {  	v17 =	vadd.s32 $0x1B0, v3;
	v12 =	vld.idx.msk [tilespmem:v12+s3+$0x0], $0xffff;
	[tilespmem:s18+$0x280] =	vst v10  }
0xda: {  	v10 =	vadd.s32 $0x150, v6;
	v11 =	vld.idx.msk [tilespmem:v14+s3+$0x0], $0xffff;
	[tilespmem:s2+$0x180] =	vst v5  }
0xdb: {  	v14 =	vadd.s32 $0x40, v2;
	v7 =	vld.idx.msk [tilespmem:v7+s3+$0x0], $0xffff;
	[tilespmem:s21+$0x200] =	vst v15  }
0xdc: {  	v15 =	vadd.s32 $0x40, v36;
	v5 =	vld.idx.msk [tilespmem:v9+s3+$0x0], $0xffff;
	[tilespmem:s19+$0x380] =	vst v4  }
0xdd: {  	v9 =	vadd.s32 $0x170, v0;
	v13 =	vld.idx.msk [tilespmem:v13+s3+$0x0], $0xffff;
	[tilespmem:s12+$0x200] =	vst v8  }
0xde: {  	v4 =	vadd.s32 $0xD0, v16;
	v8 =	vld.idx.msk [tilespmem:v17+s3+$0x0], $0xffff;
	[tilespmem:s7+$0x180] =	vst v12  }
0xdf: {  	v12 =	vadd.s32 $0xE0, v1;
	v17 =	vld.idx.msk [tilespmem:v10+s3+$0x0], $0xffff;
	[tilespmem:s11+$0x180] =	vst v11  }
0xe0: {  	v18 =	vadd.s32 $0x1C0, v3;
	v19 =	vld.idx.msk [tilespmem:v14+s3+$0x0], $0xffff;
	[tilespmem:s18+$0x300] =	vst v7  }
0xe1: {  	v7 =	vadd.s32 $0x160, v6;
	v15 =	vld.idx.msk [tilespmem:v15+s3+$0x0], $0xffff;
	[tilespmem:s2+$0x200] =	vst v5  }
0xe2: {  	v20 =	vadd.s32 $0x50, v2;
	v11 =	vld.idx.msk [tilespmem:v9+s3+$0x0], $0xffff;
	[tilespmem:s21+$0x280] =	vst v13  }
0xe3: {  	v23 =	vadd.s32 $0x50, v36;
	v21 =	vld.idx.msk [tilespmem:v4+s3+$0x0], $0xffff;
	[tilespmem:s31+$0x180] =	vst v8  }
0xe4: {  	v13 =	vadd.s32 $0x180, v0;
	v24 =	vld.idx.msk [tilespmem:v12+s3+$0x0], $0xffff;
	[tilespmem:s12+$0x280] =	vst v17  }
0xe5: {  	v22 =	vadd.s32 $0x1D0, v3;
	v28 =	vadd.s32 $0x1E0, v3;
	v25 =	vadd.s32 $0x1A0, v6;
	v17 =	vld.idx.msk [tilespmem:v18+s3+$0x0], $0xffff;
	[tilespmem:s7+$0x200] =	vst v19  }
0xe6: {  	v62 =	vadd.s32 $0x1B0, v6;
	v27 =	vadd.s32 $0x1C0, v6;
	v8 =	vadd.s32 $0xE0, v16;
	v30 =	vld.idx.msk [tilespmem:v7+s3+$0x0], $0xffff;
	[tilespmem:s11+$0x200] =	vst v15  }
0xe7: {  	v60 =	vadd.s32 $0x1D0, v6;
	v10 =	vadd.s32 $0x1F0, v3;
	v3 =	vadd.s32 $0x170, v6;
	v20 =	vld.idx.msk [tilespmem:v20+s3+$0x0], $0xffff;
	[tilespmem:s18+$0x380] =	vst v11  }
0xe8: {  	v14 =	vadd.s32 $0x1E0, v6;
	v9 =	vadd.s32 $0x190, v6;
	v4 =	vadd.s32 $0x120, v16;
	v33 =	vld.idx.msk [tilespmem:v23+s3+$0x0], $0xffff;
	[tilespmem:s2+$0x280] =	vst v21  }
0xe9: {  	v12 =	vadd.s32 $0x1F0, v6;
	v18 =	vadd.s32 $0x180, v6;
	v19 =	vadd.s32 $0xF0, v1;
	v6 =	vld.idx.msk [tilespmem:v13+s3+$0x0], $0xffff;
	[tilespmem:$0x1FF80] =	vst v4  }
0xea: {  	v4 =	vadd.s32 $0x130, v16;
	[tilespmem:s21+$0x300] =	vst v24  }
0xeb: {  	v34 =	vld.idx.msk [tilespmem:v8+s3+$0x0], $0xffff;
	[tilespmem:$0x1FF90] =	vst v4;
	v4 =	vadd.s32 $0x140, v16  }
0xec: {  	[tilespmem:$0x1FFA0] =	vst v4  }
0xed: {  	v4 =	vadd.s32 $0x150, v16;
	[tilespmem:s31+$0x200] =	vst v17  }
0xee: {  	v11 =	vadd.s32 $0x60, v2;
	v38 =	vld.idx.msk [tilespmem:v19+s3+$0x0], $0xffff;
	[tilespmem:$0x1FFB0] =	vst v4;
	v4 =	vadd.s32 $0x160, v16  }
0xef: {  	v35 =	vadd.s32 $0x190, v0;
	[tilespmem:$0x1FFC0] =	vst v4  }
0xf0: {  	v32 =	vadd.s32 $0xF0, v16;
	s8 =	sadd.s32 $0x6000, s8;
	v37 =	vadd.s32 $0x60, v36;
	[tilespmem:s12+$0x300] =	vst v30  }
0xf1: {  	v50 =	vadd.s32 $0x100, v16;
	v31 =	vadd.s32 $0x170, v16;
	v26 =	vadd.s32 $0x190, v16;
	s13 =	sadd.s32 s13, s8;
	v22 =	vld.idx.msk [tilespmem:v22+s3+$0x0], $0xffff;
	[tilespmem:s7+$0x280] =	vst v20  }
0xf2: {  	v7 =	vadd.s32 $0x110, v16;
	v15 =	vadd.s32 $0x1E0, v16;
	v23 =	vadd.s32 $0x1A0, v16;
	[tilespmem:s13+$0x0] =	vst v6;
	v3 =	vld.idx.msk [tilespmem:v3+s3+$0x0], $0xffff  }
0xf3: {  	v21 =	vadd.s32 $0x1B0, v16;
	v13 =	vadd.s32 $0x1F0, v16;
	v20 =	vadd.s32 $0x100, v1;
	[tilespmem:s11+$0x280] =	vst v33;
	v30 =	vld.idx.msk [tilespmem:v11+s3+$0x0], $0xffff  }
0xf4: {  	v24 =	vadd.s32 $0x180, v16;
	v19 =	vadd.s32 $0x1C0, v16;
	v17 =	vadd.s32 $0x1D0, v16;
	[tilespmem:s2+$0x300] =	vst v34;
	v16 =	vld.idx.msk [tilespmem:v35+s3+$0x0], $0xffff  }
0xf5: {  	v4 =	vadd.s32 $0xC0, v36;
	v47 =	vld.idx.msk [tilespmem:v37+s3+$0x0], $0xffff;
	[tilespmem:s21+$0x380] =	vst v38  }
0xf6: {  	v54 =	vld.idx.msk [tilespmem:v32+s3+$0x0], $0xffff;
	[tilespmem:$0x1FFD0] =	vst v4  }
0xf7: {  	v63 =	vadd.s32 $0x1A0, v0;
	v52 =	vadd.s32 $0x70, v2;
	[tilespmem:s31+$0x280] =	vst v22  }
0xf8: {  	v58 =	vadd.s32 $0x110, v1;
	v51 =	vadd.s32 $0x70, v36;
	v49 =	vadd.s32 $0x80, v36;
	v56 =	vld.idx.msk [tilespmem:v20+s3+$0x0], $0xffff;
	[tilespmem:s12+$0x380] =	vst v3  }
0xf9: {  	v46 =	vadd.s32 $0x90, v36;
	v45 =	vadd.s32 $0xA0, v36;
	v57 =	vld.idx.msk [tilespmem:v28+s3+$0x0], $0xffff;
	[tilespmem:s7+$0x300] =	vst v30;
	v3 =	vadd.s32 $0x130, v36  }
0xfa: {  	v44 =	vadd.s32 $0xB0, v36;
	v43 =	vadd.s32 $0xD0, v36;
	v53 =	vld.idx.msk [tilespmem:v18+s3+$0x0], $0xffff;
	[tilespmem:$0x1FFE0] =	vst v3;
	v3 =	vadd.s32 $0x140, v36  }
0xfb: {  	v42 =	vadd.s32 $0xE0, v36;
	v48 =	vadd.s32 $0x110, v36;
	v40 =	vadd.s32 $0x160, v36;
	[tilespmem:$0x1FFF0] =	vst v3  }
0xfc: {  	v29 =	vadd.s32 $0x1F0, v36;
	v33 =	vadd.s32 $0xF0, v36;
	v6 =	vadd.s32 $0x100, v36;
	v3 =	vld.idx.msk [tilespmem:v52+s3+$0x0], $0xffff;
	[tilespmem:s13+$0x80] =	vst v16  }
0xfd: {  	v37 =	vadd.s32 $0x120, v36;
	v35 =	vadd.s32 $0x150, v36;
	v11 =	vadd.s32 $0x180, v36;
	s21 =	sadd.s32 $0x4000, s30;
	[tilespmem:s11+$0x300] =	vst v47;
	v52 =	vld.idx.msk [tilespmem:v63+s3+$0x0], $0xffff  }
0xfe: {  	v32 =	vadd.s32 $0x1A0, v36;
	v22 =	vadd.s32 $0x170, v36;
	v20 =	vadd.s32 $0x1C0, v36;
	s12 =	sadd.s32 s29, s21;
	[tilespmem:s2+$0x380] =	vst v54;
	v55 =	vld.idx.msk [tilespmem:v51+s3+$0x0], $0xffff  }
0xff: {  	s14 =	sadd.s32 s14, s8;
	v28 =	vadd.s32 $0x1B0, v36;
	v18 =	vadd.s32 $0x1D0, v36;
	v47 =	vadd.s32 $0x190, v36;
	v54 =	vld.idx.msk [tilespmem:v50+s3+$0x0], $0xffff;
	[tilespmem:s12+$0x0] =	vst v56  }
0x100: {  	s20 =	simm.s32 $0x200;
	s19 =	simm.s32 $0x6;
	s8 =	sadd.s32 s28, s21;
	v16 =	vadd.s32 $0x1E0, v36;
	v56 =	vadd.s32 $0x80, v2;
	v50 =	vadd.s32 $0x1B0, v0;
	[tilespmem:s31+$0x300] =	vst v57;
	v51 =	vld.idx.msk [tilespmem:v58+s3+$0x0], $0xffff  }
.LBB2_3:
0x101: {  	[tilespmem:$0x1FEC0] =	vst v27  }
0x102: {  	[tilespmem:$0x1FF10] =	vst v11  }
0x103: {  	[tilespmem:$0x1FF30] =	vst v6  }
0x104: {  	[tilespmem:s14+$0x0] =	vst v53  }
0x105: {  	[tilespmem:s7+$0x380] =	vst v3;
	v3 =	vmov v47  }
0x106: {  	s17 =	sand.u32 $0xE00, s20;
	s16 =	sadd.s32 $0x20, s16;
	[tilespmem:$0x1FED0] =	vst v3;
	v61 =	vld.idx.msk [tilespmem:v56+s3+$0x0], $0xffff  }
0x107: {  	s2 =	sand.u32 $0x60, s16;
	s17 =	sshrl.u32 s17, $0x2;
	[tilespmem:s13+$0x100] =	vst v52;
	v53 =	vld.idx.msk [tilespmem:v10+s3+$0x0], $0xffff  }
0x108: {  	v36 =	vadd.s32 $0x120, v1;
	s21 =	sadd.s32 s17, s24;
	s17 =	sor.u32 $0x10, s2;
	v57 =	vld.idx.msk [tilespmem:v9+s3+$0x0], $0xffff;
	[tilespmem:s11+$0x380] =	vst v55  }
0x109: {  	s7 =	sadd.s32 s17, s21;
	v50 =	vld.idx.msk [tilespmem:v50+s3+$0x0], $0xffff;
	[tilespmem:s8+$0x0] =	vst v54  }
0x10a: {  	s18 =	sadd.s32 s2, s21;
	v5 =	vmov v12;
	v4 =	vmov v26;
	v3 =	vld [tilespmem:s7+$0x0];
	[tilespmem:s12+$0x80] =	vst v51  }
0x10b: {  	v63 =	vadd.s32 $0x90, v2;
	[tilespmem:$0x1FF40] =	vst v4;
	v4 =	vld [tilespmem:s18+$0x0];
	s18 =	sadd.s32 $0x2000, s15  }
0x10c: {  	v34 =	vadd.s32 $0x1C0, v0;
	[tilespmem:$0x1FF60] =	vst v5;
	s21 =	sadd.s32 s0, s18;
	s18 =	sadd.s32 s1, s18  }
0x10d: {  	v36 =	vld.idx.msk [tilespmem:v36+s3+$0x0], $0xffff;
	v5 =	vmov v13;
	[tilespmem:s18+$0x0] =	vst v61  }
0x10e: {  	[tilespmem:s31+$0x380] =	vst v53  }
0x10f: {  	[tilespmem:$0x1FEB0] =	vst v5;
	v53 =	vld.idx.msk [tilespmem:v49+s3+$0x0], $0xffff  }
0x110: {  	v54 =	vadd.s32 $0x130, v1;
	s31 =	smov.u32 s14;
	v5 =	vmov v48;
	v48 =	vld.idx.msk [tilespmem:v63+s3+$0x0], $0xffff;
	[tilespmem:s13+$0x180] =	vst v50  }
0x111: {  	v61 =	vadd.s32 $0xA0, v2;
	[tilespmem:s31+$0x80] =	vst v57;
	v59 =	vld.idx.msk [tilespmem:v34+s3+$0x0], $0xffff  }
0x112: {  	v34 =	vld.idx.msk [tilespmem:v3+s3+$0x0], $0xffff;
	[tilespmem:s12+$0x100] =	vst v36;
	v36 =	vadd.s32 $0x1D0, v0  }
0x113: {  	[tilespmem:$0x1FF00] =	vst v24;
	v47 =	vld.idx.msk [tilespmem:v7+s3+$0x0], $0xffff;
	v7 =	vadd.s32 $0x70, v4  }
0x114: {  	s5 =	sadd.s32 $0x100, s5;
	[tilespmem:$0x1FF20] =	vst v7  }
0x115: {  	s11 =	sand.u32 $0x1C00, s5;
	v7 =	vld.idx.msk [tilespmem:v54+s3+$0x0], $0xffff;
	[tilespmem:s18+$0x80] =	vst v48  }
0x116: {  	v6 =	vmov v23;
	v52 =	vmov v14;
	s14 =	sadd.s32 s11, s26;
	v14 =	vld.idx.msk [tilespmem:v61+s3+$0x0], $0xffff;
	[tilespmem:s13+$0x200] =	vst v59  }
0x117: {  	v38 =	vmov v31;
	v31 =	vmov v17;
	[tilespmem:$0x1FEF0] =	vst v6;
	s7 =	sadd.s32 s17, s14;
	v17 =	vld.idx.msk [tilespmem:v36+s3+$0x0], $0xffff  }
0x118: {  	v13 =	vadd.s32 $0x140, v1;
	v11 =	vadd.s32 $0x10, v3;
	v56 =	vadd.s32 $0x10, v4;
	[tilespmem:s7+$0x0] =	vst v34;
	v34 =	vmovc v20;
	v20 =	vld [tilespmem:$0x1FF80]  }
0x119: {  	v30 =	vmovc v62;
	v62 =	vadd.s32 $0x30, v4;
	v58 =	vadd.s32 $0x40, v4;
	v55 =	vadd.s32 $0x50, v4;
	[tilespmem:$0x1FF70] =	vst v5;
	v63 =	vld.idx.msk [tilespmem:v25+s3+$0x0], $0xffff  }
0x11a: {  	v27 =	vmovc v29;
	v6 =	vadd.s32 $0x60, v4;
	v49 =	vadd.s32 $0x80, v4;
	v41 =	vadd.s32 $0x90, v4;
	[tilespmem:s21+$0x0] =	vst v53  }
0x11b: {  	v39 =	vmovc v35;
	v26 =	vmovc v60;
	v9 =	vadd.s32 $0xB0, v4;
	v10 =	vadd.s32 $0xC0, v4;
	v60 =	vadd.s32 $0xD0, v4;
	v8 =	vld.idx.msk [tilespmem:v4+s3+$0x0], $0xffff;
	[tilespmem:s8+$0x80] =	vst v47  }
0x11c: {  	v35 =	vmovc v32;
	v57 =	vadd.s32 $0xE0, v4;
	v23 =	vadd.s32 $0x100, v4;
	v50 =	vmovc v15;
	v15 =	vadd.s32 $0x130, v4;
	[tilespmem:$0x1FEE0] =	vst v6;
	v12 =	vld.idx.msk [tilespmem:v46+s3+$0x0], $0xffff  }
0x11d: {  	v24 =	vmovc v22;
	v51 =	vmovc v16;
	v16 =	vadd.s32 $0x140, v4;
	v32 =	vadd.s32 $0x1A0, v4;
	v29 =	vadd.s32 $0x1F0, v4;
	v11 =	vld.idx.msk [tilespmem:v11+s3+$0x0], $0xffff;
	[tilespmem:s12+$0x180] =	vst v7  }
0x11e: {  	v5 =	vadd.s32 $0x20, v4;
	v6 =	vadd.s32 $0xA0, v4;
	v25 =	vmovc v33;
	v33 =	vmovc v19;
	v19 =	vadd.s32 $0xB0, v2;
	[tilespmem:s31+$0x100] =	vst v63;
	v13 =	vld.idx.msk [tilespmem:v13+s3+$0x0], $0xffff  }
0x11f: {  	v22 =	vmovc v37;
	v37 =	vmovc v28;
	s11 =	sadd.s32 s2, s14;
	v54 =	vadd.s32 $0x180, v4;
	v53 =	vadd.s32 $0xF0, v4;
	v48 =	vadd.s32 $0x110, v4;
	[tilespmem:s18+$0x100] =	vst v14;
	v14 =	vld [tilespmem:$0x1FF90]  }
0x120: {  	v28 =	vmovc v21;
	v59 =	vadd.s32 $0x120, v4;
	v47 =	vadd.s32 $0x190, v4;
	v61 =	vadd.s32 $0x1D0, v4;
	v46 =	vmovc v41;
	v20 =	vld.idx.msk [tilespmem:v20+s3+$0x0], $0xffff;
	[tilespmem:s11+$0x0] =	vst v8  }
0x121: {  	v36 =	vmovc v18;
	v18 =	vadd.s32 $0x150, v4;
	v63 =	vadd.s32 $0x160, v4;
	v41 =	vmovc v59;
	v59 =	vadd.s32 $0x170, v4;
	v21 =	vld.idx.msk [tilespmem:v56+s3+$0x0], $0xffff;
	[tilespmem:s21+$0x80] =	vst v12  }
0x122: {  	[tilespmem:$0x1FF80] =	vst v22;
	v22 =	vadd.s32 $0x1C0, v4;
	v8 =	vadd.s32 $0x1B0, v4;
	v56 =	vadd.s32 $0x1E0, v4;
	v4 =	vld.idx.msk [tilespmem:v45+s3+$0x0], $0xffff  }
0x123: {  	v7 =	vadd.s32 $0x1E0, v0;
	v45 =	vmov v6;
	v6 =	vld.idx.msk [tilespmem:v19+s3+$0x0], $0xffff  }
0x124: {  	v19 =	vld [tilespmem:$0x1FFE0];
	_ =	sdelay $0x1  }
0x125: {  	[tilespmem:$0x1FF50] =	vst v23  }
0x126: {  	v23 =	vadd.s32 $0x20, v3;
	[tilespmem:s13+$0x280] =	vst v17  }
0x127: {  	v7 =	vld.idx.msk [tilespmem:v7+s3+$0x0], $0xffff;
	[tilespmem:s7+$0x80] =	vst v11  }
0x128: {  	[tilespmem:s8+$0x100] =	vst v20;
	v17 =	vmov v19  }
0x129: {  	v12 =	vadd.s32 $0x150, v1;
	v14 =	vld.idx.msk [tilespmem:v14+s3+$0x0], $0xffff;
	[tilespmem:s11+$0x80] =	vst v21  }
0x12a: {  	v11 =	vadd.s32 $0xC0, v2;
	[tilespmem:$0x1FF90] =	vst v17  }
0x12b: {  	v17 =	vmov v15;
	v15 =	vld.idx.msk [tilespmem:v23+s3+$0x0], $0xffff;
	[tilespmem:s12+$0x200] =	vst v13;
	v13 =	vadd.s32 $0x1F0, v0  }
0x12c: {  	v5 =	vld.idx.msk [tilespmem:v5+s3+$0x0], $0xffff;
	[tilespmem:s21+$0x100] =	vst v4  }
0x12d: {  	v4 =	vld.idx.msk [tilespmem:v44+s3+$0x0], $0xffff  }
0x12e: {  	v0 =	vmov v1;
	v1 =	vmov v2;
	v2 =	vmov v3;
	v3 =	vld.idx.msk [tilespmem:v12+s3+$0x0], $0xffff;
	[tilespmem:s18+$0x180] =	vst v6  }
0x12f: {  	v44 =	vmov v9;
	v9 =	vld.idx.msk [tilespmem:v11+s3+$0x0], $0xffff;
	[tilespmem:s13+$0x300] =	vst v7  }
0x130: {  	v7 =	vld.idx.msk [tilespmem:v13+s3+$0x0], $0xffff  }
0x131: {  	v13 =	vld [tilespmem:$0x1FFA0]  }
0x132: {  	[tilespmem:s7+$0x100] =	vst v15;
	v15 =	vld [tilespmem:$0x1FFF0]  }
0x133: {  	v12 =	vadd.s32 $0x30, v2;
	_ =	sdelay $0x3  }
0x134: {  	v6 =	vadd.s32 $0x160, v0;
	[tilespmem:s8+$0x180] =	vst v14;
	v14 =	vmov v15  }
0x135: {  	v11 =	vadd.s32 $0xD0, v1;
	v12 =	vld.idx.msk [tilespmem:v12+s3+$0x0], $0xffff;
	[tilespmem:s12+$0x280] =	vst v3  }
0x136: {  	v13 =	vld.idx.msk [tilespmem:v13+s3+$0x0], $0xffff;
	[tilespmem:s11+$0x100] =	vst v5  }
0x137: {  	[tilespmem:$0x1FFA0] =	vst v14;
	v14 =	vmov v16;
	v5 =	vld.idx.msk [tilespmem:v62+s3+$0x0], $0xffff  }
0x138: {  	[tilespmem:s21+$0x180] =	vst v4;
	v4 =	vld [tilespmem:$0x1FFD0]  }
0x139: {  	v3 =	vld.idx.msk [tilespmem:v6+s3+$0x0], $0xffff;
	v6 =	vadd.s32 $0x40, v2;
	[tilespmem:s18+$0x200] =	vst v9  }
0x13a: {  	v9 =	vadd.s32 $0x170, v0;
	[tilespmem:$0x1FFF0] =	vst v14;
	v14 =	vmov v10;
	v10 =	vld.idx.msk [tilespmem:v11+s3+$0x0], $0xffff  }
0x13b: {  	v11 =	vld [tilespmem:$0x1FFB0]  }
0x13c: {  	v62 =	vmov v28;
	v28 =	vmov v8;
	v8 =	vadd.s32 $0xE0, v1;
	[tilespmem:s13+$0x380] =	vst v7  }
0x13d: {  	[tilespmem:s7+$0x180] =	vst v12  }
0x13e: {  	v6 =	vld.idx.msk [tilespmem:v6+s3+$0x0], $0xffff;
	[tilespmem:s12+$0x300] =	vst v3  }
0x13f: {  	v3 =	vld.idx.msk [tilespmem:v9+s3+$0x0], $0xffff;
	v9 =	vadd.s32 $0x50, v2  }
0x140: {  	[tilespmem:s18+$0x280] =	vst v10;
	v4 =	vld.idx.msk [tilespmem:v4+s3+$0x0], $0xffff  }
0x141: {  	[tilespmem:s8+$0x200] =	vst v13;
	v8 =	vld.idx.msk [tilespmem:v8+s3+$0x0], $0xffff  }
0x142: {  	v7 =	vld.idx.msk [tilespmem:v30+s3+$0x0], $0xffff  }
0x143: {  	[tilespmem:s7+$0x200] =	vst v6;
	v11 =	vld.idx.msk [tilespmem:v11+s3+$0x0], $0xffff  }
0x144: {  	v10 =	vadd.s32 $0x180, v0;
	v9 =	vld.idx.msk [tilespmem:v9+s3+$0x0], $0xffff;
	[tilespmem:s11+$0x180] =	vst v5  }
0x145: {  	v5 =	vld.idx.msk [tilespmem:v58+s3+$0x0], $0xffff;
	[tilespmem:s21+$0x200] =	vst v4  }
0x146: {  	[tilespmem:s12+$0x380] =	vst v3;
	v4 =	vld.idx.msk [tilespmem:v43+s3+$0x0], $0xffff  }
0x147: {  	[tilespmem:s31+$0x180] =	vst v7;
	v7 =	vld [tilespmem:$0x1FEC0]  }
0x148: {  	v6 =	vadd.s32 $0xF0, v1;
	[tilespmem:s8+$0x280] =	vst v11;
	v11 =	vld [tilespmem:$0x1FFC0]  }
0x149: {  	v3 =	vld.idx.msk [tilespmem:v10+s3+$0x0], $0xffff;
	v10 =	vadd.s32 $0x60, v2;
	_ =	sdelay $0x2  }
0x14a: {  	[tilespmem:s18+$0x300] =	vst v8  }
0x14b: {  	v6 =	vld.idx.msk [tilespmem:v6+s3+$0x0], $0xffff;
	[tilespmem:s7+$0x280] =	vst v9  }
0x14c: {  	v10 =	vld.idx.msk [tilespmem:v10+s3+$0x0], $0xffff  }
0x14d: {  	s13 =	sadd.s32 $0x6000, s30;
	s30 =	smov.u32 s15;
	v7 =	vld.idx.msk [tilespmem:v7+s3+$0x0], $0xffff  }
0x14e: {  	s15 =	smov.u32 s14;
	s14 =	sadd.s32 s28, s13;
	s13 =	sadd.s32 s29, s13;
	v11 =	vld.idx.msk [tilespmem:v11+s3+$0x0], $0xffff  }
0x14f: {  	[tilespmem:s13+$0x0] =	vst v3;
	v3 =	vld [tilespmem:$0x1FEE0]  }
0x150: {  	[tilespmem:s11+$0x200] =	vst v5  }
0x151: {  	v8 =	vadd.s32 $0x190, v0;
	v5 =	vld.idx.msk [tilespmem:v55+s3+$0x0], $0xffff;
	[tilespmem:s21+$0x280] =	vst v4  }
0x152: {  	v4 =	vld.idx.msk [tilespmem:v42+s3+$0x0], $0xffff;
	[tilespmem:s31+$0x200] =	vst v7  }
0x153: {  	[tilespmem:s8+$0x300] =	vst v11  }
0x154: {  	v9 =	vadd.s32 $0x100, v1;
	v7 =	vld.idx.msk [tilespmem:v26+s3+$0x0], $0xffff  }
0x155: {  	v11 =	vld.idx.msk [tilespmem:v38+s3+$0x0], $0xffff  }
0x156: {  	[tilespmem:s11+$0x280] =	vst v5;
	v5 =	vld.idx.msk [tilespmem:v8+s3+$0x0], $0xffff  }
0x157: {  	v8 =	vld.idx.msk [tilespmem:v3+s3+$0x0], $0xffff;
	v3 =	vadd.s32 $0x70, v2  }
0x158: {  	[tilespmem:s18+$0x380] =	vst v6  }
0x159: {  	[tilespmem:s21+$0x300] =	vst v4;
	v9 =	vld.idx.msk [tilespmem:v9+s3+$0x0], $0xffff  }
0x15a: {  	[tilespmem:s7+$0x300] =	vst v10;
	v4 =	vld.idx.msk [tilespmem:v25+s3+$0x0], $0xffff  }
0x15b: {  	[tilespmem:s8+$0x380] =	vst v11;
	v11 =	vld [tilespmem:$0x1FF00]  }
0x15c: {  	v3 =	vld.idx.msk [tilespmem:v3+s3+$0x0], $0xffff  }
0x15d: {  	[tilespmem:s13+$0x80] =	vst v5;
	v5 =	vld [tilespmem:$0x1FF20];
	_ =	sdelay $0x4  }
0x15e: {  	[tilespmem:s31+$0x280] =	vst v7  }
0x15f: {  	v7 =	vld.idx.msk [tilespmem:v52+s3+$0x0], $0xffff  }
0x160: {  	v13 =	vmov v27;
	v27 =	vmov v33;
	v33 =	vmov v53;
	v53 =	vld.idx.msk [tilespmem:v11+s3+$0x0], $0xffff;
	[tilespmem:s11+$0x300] =	vst v8  }
0x161: {  	v55 =	vld.idx.msk [tilespmem:v5+s3+$0x0], $0xffff  }
0x162: {  	[tilespmem:s21+$0x380] =	vst v4;
	v4 =	vld [tilespmem:$0x1FF30];
	_ =	sdelay $0x2  }
0x163: {  	v11 =	vld [tilespmem:$0x1FF10];
	_ =	sdelay $0x1  }
0x164: {  	v12 =	vld [tilespmem:$0x1FEB0];
	v6 =	vadd.s32 $0x1A0, v0  }
0x165: {  	v26 =	vld [tilespmem:$0x1FED0]  }
0x166: {  	[tilespmem:$0x1FFD0] =	vst v14;
	v14 =	vmov v39;
	v10 =	vadd.s32 $0x110, v1;
	v25 =	vld [tilespmem:$0x1FEF0]  }
0x167: {  	s19 =	sadd.s32 $0x2, s19;
	v43 =	vmovc v60;
	v60 =	vmovc v31;
	v31 =	vmov v24;
	v24 =	vmov v11;
	v11 =	vmov v54;
	v54 =	vld.idx.msk [tilespmem:v4+s3+$0x0], $0xffff  }
0x168: {  	p0 =	slt.u32 s19, $0x3E;
	s29 =	smov.u32 s1;
	s18 =	sadd.s32 $0x4000, s30;
	v4 =	vld [tilespmem:$0x1FF50]  }
.Ltmp0:
0x169: {  	[tilespmem:$0x1FFB0] =	vst v14;
	s12 =	sadd.s32 s29, s18;
	v52 =	vld.idx.msk [tilespmem:v6+s3+$0x0], $0xffff;
	(pc) =	sbr.rel @p0 .LBB2_3-.Ltmp0, $4  }
0x16a: {  	v20 =	vmov v22;
	v22 =	vmov v59;
	v14 =	vmov v40;
	[tilespmem:s12+$0x0] =	vst v9;
	v9 =	vld [tilespmem:$0x1FF40]  }
0x16b: {  	v21 =	vmovc v37;
	v37 =	vmovc v41;
	v19 =	vmov v34;
	v23 =	vmov v35;
	[tilespmem:$0x1FFE0] =	vst v17;
	v15 =	vmov v51;
	v51 =	vld.idx.msk [tilespmem:v10+s3+$0x0], $0xffff  }
0x16c: {  	s20 =	sadd.s32 $0x80, s20;
	v35 =	vmovc v18;
	v18 =	vmovc v61;
	v17 =	vmov v36;
	v16 =	vmov v56;
	v56 =	vadd.s32 $0x80, v2;
	s28 =	smov.u32 s0;
	[tilespmem:$0x1FFC0] =	vst v14;
	v10 =	vld [tilespmem:$0x1FF60]  }
0x16d: {  	s0 =	smov.u32 s2;
	s1 =	smov.u32 s17;
	v40 =	vmovc v63;
	v14 =	vmovc v50;
	v50 =	vadd.s32 $0x1B0, v0;
	v42 =	vmov v57;
	s8 =	sadd.s32 s28, s18;
	[tilespmem:s31+$0x300] =	vst v7;
	v7 =	vld [tilespmem:$0x1FF70];
	v6 =	vmov v4  }
0x16e: {  	_ =	sdelay $0x2  }
0x16f: {  	[tilespmem:s7+$0x380] =	vst v3  }
0x170: {  	[tilespmem:s11+$0x380] =	vst v55;
	v3 =	vld.idx.msk [tilespmem:v56+s3+$0x0], $0xffff  }
0x171: {  	v4 =	vadd.s32 $0x90, v2;
	v5 =	vld.idx.msk [tilespmem:v49+s3+$0x0], $0xffff;
	_ =	sdelay $0x1  }
0x172: {  	s2 =	sadd.s32 $0x2000, s15  }
0x173: {  	s5 =	sadd.s32 s1, s2  }
0x174: {  	s2 =	sadd.s32 s0, s2;
	[tilespmem:s5+$0x0] =	vst v3  }
0x175: {  	[tilespmem:s2+$0x0] =	vst v5;
	v3 =	vld.idx.msk [tilespmem:v4+s3+$0x0], $0xffff  }
0x176: {  	v36 =	vadd.s32 $0xA0, v2;
	v5 =	vld.idx.msk [tilespmem:v46+s3+$0x0], $0xffff;
	_ =	sdelay $0x3  }
0x177: {  	[tilespmem:s5+$0x80] =	vst v3  }
0x178: {  	[tilespmem:s2+$0x80] =	vst v5;
	v3 =	vld.idx.msk [tilespmem:v36+s3+$0x0], $0xffff  }
0x179: {  	v38 =	vadd.s32 $0xB0, v2;
	v5 =	vld.idx.msk [tilespmem:v45+s3+$0x0], $0xffff;
	_ =	sdelay $0x3  }
0x17a: {  	[tilespmem:s5+$0x100] =	vst v3  }
0x17b: {  	[tilespmem:s2+$0x100] =	vst v5;
	v3 =	vld.idx.msk [tilespmem:v38+s3+$0x0], $0xffff  }
0x17c: {  	v5 =	vld.idx.msk [tilespmem:v44+s3+$0x0], $0xffff;
	_ =	sdelay $0x3  }
0x17d: {  	[tilespmem:s5+$0x180] =	vst v3  }
0x17e: {  	[tilespmem:s2+$0x180] =	vst v5  }
0x17f: {  	v5 =	vld [tilespmem:$0x1FFD0];
	_ =	sdelay $0x1  }
0x180: {  	v39 =	vadd.s32 $0xC0, v2;
	_ =	sdelay $0x4  }
0x181: {  	v3 =	vld.idx.msk [tilespmem:v39+s3+$0x0], $0xffff  }
0x182: {  	v41 =	vadd.s32 $0xD0, v2;
	v5 =	vld.idx.msk [tilespmem:v5+s3+$0x0], $0xffff;
	_ =	sdelay $0x3  }
0x183: {  	[tilespmem:s5+$0x200] =	vst v3  }
0x184: {  	v3 =	vld.idx.msk [tilespmem:v41+s3+$0x0], $0xffff;
	[tilespmem:s2+$0x200] =	vst v5  }
0x185: {  	v44 =	vadd.s32 $0xE0, v2;
	v5 =	vld.idx.msk [tilespmem:v43+s3+$0x0], $0xffff;
	_ =	sdelay $0x3  }
0x186: {  	[tilespmem:s5+$0x280] =	vst v3  }
0x187: {  	v3 =	vld.idx.msk [tilespmem:v44+s3+$0x0], $0xffff;
	[tilespmem:s2+$0x280] =	vst v5  }
0x188: {  	v45 =	vadd.s32 $0xF0, v2;
	v5 =	vld.idx.msk [tilespmem:v42+s3+$0x0], $0xffff;
	_ =	sdelay $0x3  }
0x189: {  	[tilespmem:s5+$0x300] =	vst v3  }
0x18a: {  	v3 =	vld.idx.msk [tilespmem:v45+s3+$0x0], $0xffff;
	[tilespmem:s2+$0x300] =	vst v5  }
0x18b: {  	v46 =	vadd.s32 $0x100, v2;
	v5 =	vld.idx.msk [tilespmem:v33+s3+$0x0], $0xffff;
	_ =	sdelay $0x2  }
0x18c: {  	[tilespmem:s8+$0x0] =	vst v54  }
0x18d: {  	v7 =	vld.idx.msk [tilespmem:v7+s3+$0x0], $0xffff;
	[tilespmem:s5+$0x380] =	vst v3  }
0x18e: {  	v3 =	vld.idx.msk [tilespmem:v46+s3+$0x0], $0xffff;
	[tilespmem:s2+$0x380] =	vst v5  }
0x18f: {  	v5 =	vld.idx.msk [tilespmem:v6+s3+$0x0], $0xffff;
	_ =	sdelay $0x1  }
0x190: {  	s7 =	sadd.s32 $0x4000, s15;
	[tilespmem:s12+$0x80] =	vst v51  }
0x191: {  	s11 =	sadd.s32 s1, s7;
	[tilespmem:s8+$0x80] =	vst v7  }
0x192: {  	s5 =	sadd.s32 s0, s7;
	[tilespmem:s11+$0x0] =	vst v3  }
0x193: {  	[tilespmem:s5+$0x0] =	vst v5  }
0x194: {  	v49 =	vadd.s32 $0x110, v2;
	v8 =	vld [tilespmem:$0x1FF80]  }
0x195: {  	v54 =	vadd.s32 $0x120, v1;
	_ =	sdelay $0x3  }
0x196: {  	v3 =	vld.idx.msk [tilespmem:v49+s3+$0x0], $0xffff  }
0x197: {  	v6 =	vld.idx.msk [tilespmem:v54+s3+$0x0], $0xffff  }
0x198: {  	v5 =	vld.idx.msk [tilespmem:v48+s3+$0x0], $0xffff  }
0x199: {  	v8 =	vld.idx.msk [tilespmem:v8+s3+$0x0], $0xffff;
	_ =	sdelay $0x1  }
0x19a: {  	[tilespmem:s11+$0x80] =	vst v3  }
0x19b: {  	[tilespmem:s12+$0x100] =	vst v6  }
0x19c: {  	[tilespmem:s5+$0x80] =	vst v5  }
0x19d: {  	[tilespmem:s8+$0x100] =	vst v8  }
0x19e: {  	v55 =	vadd.s32 $0x120, v2;
	v8 =	vld [tilespmem:$0x1FF90];
	_ =	sdelay $0x1  }
0x19f: {  	v56 =	vadd.s32 $0x130, v1;
	_ =	sdelay $0x2  }
0x1a0: {  	v3 =	vld.idx.msk [tilespmem:v55+s3+$0x0], $0xffff  }
0x1a1: {  	v5 =	vld.idx.msk [tilespmem:v37+s3+$0x0], $0xffff  }
0x1a2: {  	v6 =	vld.idx.msk [tilespmem:v56+s3+$0x0], $0xffff  }
0x1a3: {  	v8 =	vld.idx.msk [tilespmem:v8+s3+$0x0], $0xffff;
	_ =	sdelay $0x1  }
0x1a4: {  	[tilespmem:s11+$0x100] =	vst v3  }
0x1a5: {  	[tilespmem:s5+$0x100] =	vst v5  }
0x1a6: {  	v5 =	vld [tilespmem:$0x1FFE0];
	[tilespmem:s12+$0x180] =	vst v6  }
0x1a7: {  	[tilespmem:s8+$0x180] =	vst v8  }
0x1a8: {  	v57 =	vadd.s32 $0x130, v2;
	v8 =	vld [tilespmem:$0x1FFA0];
	_ =	sdelay $0x1  }
0x1a9: {  	v58 =	vadd.s32 $0x140, v1;
	_ =	sdelay $0x2  }
0x1aa: {  	v3 =	vld.idx.msk [tilespmem:v57+s3+$0x0], $0xffff  }
0x1ab: {  	v5 =	vld.idx.msk [tilespmem:v5+s3+$0x0], $0xffff  }
0x1ac: {  	v6 =	vld.idx.msk [tilespmem:v58+s3+$0x0], $0xffff  }
0x1ad: {  	v8 =	vld.idx.msk [tilespmem:v8+s3+$0x0], $0xffff;
	_ =	sdelay $0x1  }
0x1ae: {  	[tilespmem:s11+$0x180] =	vst v3  }
0x1af: {  	[tilespmem:s5+$0x180] =	vst v5  }
0x1b0: {  	v5 =	vld [tilespmem:$0x1FFF0];
	[tilespmem:s12+$0x200] =	vst v6  }
0x1b1: {  	[tilespmem:s8+$0x200] =	vst v8  }
0x1b2: {  	v59 =	vadd.s32 $0x140, v2;
	v8 =	vld [tilespmem:$0x1FFB0];
	_ =	sdelay $0x1  }
0x1b3: {  	v61 =	vadd.s32 $0x150, v1;
	_ =	sdelay $0x2  }
0x1b4: {  	v3 =	vld.idx.msk [tilespmem:v59+s3+$0x0], $0xffff  }
0x1b5: {  	v5 =	vld.idx.msk [tilespmem:v5+s3+$0x0], $0xffff  }
0x1b6: {  	v6 =	vld.idx.msk [tilespmem:v61+s3+$0x0], $0xffff  }
0x1b7: {  	v63 =	vadd.s32 $0x150, v2;
	v8 =	vld.idx.msk [tilespmem:v8+s3+$0x0], $0xffff;
	_ =	sdelay $0x1  }
0x1b8: {  	[tilespmem:s11+$0x200] =	vst v3  }
0x1b9: {  	[tilespmem:s5+$0x200] =	vst v5  }
0x1ba: {  	[tilespmem:s12+$0x280] =	vst v6  }
0x1bb: {  	v3 =	vld.idx.msk [tilespmem:v63+s3+$0x0], $0xffff;
	[tilespmem:s8+$0x280] =	vst v8  }
0x1bc: {  	v30 =	vadd.s32 $0x160, v1;
	v8 =	vld [tilespmem:$0x1FFC0]  }
0x1bd: {  	v33 =	vadd.s32 $0x160, v2;
	v5 =	vld.idx.msk [tilespmem:v35+s3+$0x0], $0xffff;
	_ =	sdelay $0x3  }
0x1be: {  	v6 =	vld.idx.msk [tilespmem:v30+s3+$0x0], $0xffff;
	[tilespmem:s11+$0x280] =	vst v3  }
0x1bf: {  	v34 =	vadd.s32 $0x170, v1;
	[tilespmem:s5+$0x280] =	vst v5;
	v3 =	vld.idx.msk [tilespmem:v33+s3+$0x0], $0xffff  }
0x1c0: {  	v35 =	vadd.s32 $0x170, v2;
	v5 =	vld.idx.msk [tilespmem:v40+s3+$0x0], $0xffff  }
0x1c1: {  	v8 =	vld.idx.msk [tilespmem:v8+s3+$0x0], $0xffff;
	_ =	sdelay $0x1  }
0x1c2: {  	[tilespmem:s12+$0x300] =	vst v6  }
0x1c3: {  	v6 =	vld.idx.msk [tilespmem:v34+s3+$0x0], $0xffff;
	[tilespmem:s11+$0x300] =	vst v3  }
0x1c4: {  	v36 =	vadd.s32 $0x180, v1;
	[tilespmem:s5+$0x300] =	vst v5;
	v3 =	vld.idx.msk [tilespmem:v35+s3+$0x0], $0xffff  }
0x1c5: {  	v37 =	vadd.s32 $0x180, v2;
	v5 =	vld.idx.msk [tilespmem:v22+s3+$0x0], $0xffff;
	[tilespmem:s8+$0x300] =	vst v8  }
0x1c6: {  	v8 =	vld.idx.msk [tilespmem:v31+s3+$0x0], $0xffff;
	_ =	sdelay $0x1  }
0x1c7: {  	[tilespmem:s12+$0x380] =	vst v6  }
0x1c8: {  	v6 =	vld.idx.msk [tilespmem:v36+s3+$0x0], $0xffff;
	[tilespmem:s11+$0x380] =	vst v3  }
0x1c9: {  	v38 =	vadd.s32 $0x190, v1;
	[tilespmem:s5+$0x380] =	vst v5;
	v3 =	vld.idx.msk [tilespmem:v37+s3+$0x0], $0xffff  }
0x1ca: {  	v39 =	vadd.s32 $0x190, v2;
	v5 =	vld.idx.msk [tilespmem:v11+s3+$0x0], $0xffff;
	[tilespmem:s8+$0x380] =	vst v8  }
0x1cb: {  	s16 =	sadd.s32 $0x6000, s30;
	v8 =	vld.idx.msk [tilespmem:v24+s3+$0x0], $0xffff  }
0x1cc: {  	s18 =	sadd.s32 $0x6000, s15;
	s17 =	sadd.s32 s29, s16;
	[tilespmem:s14+$0x0] =	vst v53  }
0x1cd: {  	s19 =	sadd.s32 s1, s18;
	v9 =	vld.idx.msk [tilespmem:v9+s3+$0x0], $0xffff;
	[tilespmem:s17+$0x0] =	vst v6  }
0x1ce: {  	s20 =	sadd.s32 s0, s18;
	v6 =	vld.idx.msk [tilespmem:v38+s3+$0x0], $0xffff;
	[tilespmem:s19+$0x0] =	vst v3  }
0x1cf: {  	v40 =	vadd.s32 $0x1A0, v1;
	s5 =	sadd.s32 s28, s16;
	[tilespmem:s20+$0x0] =	vst v5;
	v3 =	vld.idx.msk [tilespmem:v39+s3+$0x0], $0xffff  }
0x1d0: {  	v41 =	vadd.s32 $0x1A0, v2;
	v5 =	vld.idx.msk [tilespmem:v47+s3+$0x0], $0xffff;
	[tilespmem:s5+$0x0] =	vst v8  }
0x1d1: {  	[tilespmem:s13+$0x100] =	vst v52;
	v8 =	vld.idx.msk [tilespmem:v26+s3+$0x0], $0xffff  }
0x1d2: {  	v10 =	vld.idx.msk [tilespmem:v10+s3+$0x0], $0xffff;
	[tilespmem:s14+$0x80] =	vst v9  }
0x1d3: {  	v9 =	vld.idx.msk [tilespmem:v25+s3+$0x0], $0xffff;
	[tilespmem:s17+$0x80] =	vst v6  }
0x1d4: {  	v6 =	vld.idx.msk [tilespmem:v40+s3+$0x0], $0xffff;
	[tilespmem:s19+$0x80] =	vst v3  }
0x1d5: {  	v42 =	vadd.s32 $0x1B0, v1;
	[tilespmem:s20+$0x80] =	vst v5;
	v3 =	vld.idx.msk [tilespmem:v41+s3+$0x0], $0xffff  }
0x1d6: {  	v43 =	vadd.s32 $0x1B0, v2;
	v5 =	vld.idx.msk [tilespmem:v32+s3+$0x0], $0xffff;
	[tilespmem:s5+$0x80] =	vst v8  }
0x1d7: {  	[tilespmem:s31+$0x380] =	vst v10;
	v8 =	vld.idx.msk [tilespmem:v23+s3+$0x0], $0xffff  }
0x1d8: {  	v44 =	vld.idx.msk [tilespmem:v50+s3+$0x0], $0xffff;
	[tilespmem:s14+$0x100] =	vst v9  }
0x1d9: {  	v45 =	vadd.s32 $0x1C0, v0;
	v46 =	vld.idx.msk [tilespmem:v62+s3+$0x0], $0xffff;
	[tilespmem:s17+$0x100] =	vst v6  }
0x1da: {  	v6 =	vld.idx.msk [tilespmem:v42+s3+$0x0], $0xffff;
	[tilespmem:s19+$0x100] =	vst v3  }
0x1db: {  	v47 =	vadd.s32 $0x1C0, v1;
	[tilespmem:s20+$0x100] =	vst v5;
	v3 =	vld.idx.msk [tilespmem:v43+s3+$0x0], $0xffff  }
0x1dc: {  	v48 =	vadd.s32 $0x1C0, v2;
	v5 =	vld.idx.msk [tilespmem:v28+s3+$0x0], $0xffff;
	[tilespmem:s5+$0x100] =	vst v8  }
0x1dd: {  	[tilespmem:s13+$0x180] =	vst v44;
	v8 =	vld.idx.msk [tilespmem:v21+s3+$0x0], $0xffff  }
0x1de: {  	v9 =	vld.idx.msk [tilespmem:v45+s3+$0x0], $0xffff;
	[tilespmem:s14+$0x180] =	vst v46  }
0x1df: {  	v49 =	vadd.s32 $0x1D0, v0;
	v11 =	vld.idx.msk [tilespmem:v27+s3+$0x0], $0xffff;
	[tilespmem:s17+$0x180] =	vst v6  }
0x1e0: {  	v6 =	vld.idx.msk [tilespmem:v47+s3+$0x0], $0xffff;
	[tilespmem:s19+$0x180] =	vst v3  }
0x1e1: {  	v50 =	vadd.s32 $0x1D0, v1;
	[tilespmem:s20+$0x180] =	vst v5;
	v3 =	vld.idx.msk [tilespmem:v48+s3+$0x0], $0xffff  }
0x1e2: {  	v51 =	vadd.s32 $0x1D0, v2;
	v5 =	vld.idx.msk [tilespmem:v20+s3+$0x0], $0xffff;
	[tilespmem:s5+$0x180] =	vst v8  }
0x1e3: {  	[tilespmem:s13+$0x200] =	vst v9;
	v8 =	vld.idx.msk [tilespmem:v19+s3+$0x0], $0xffff  }
0x1e4: {  	v9 =	vld.idx.msk [tilespmem:v49+s3+$0x0], $0xffff;
	[tilespmem:s14+$0x200] =	vst v11  }
0x1e5: {  	v52 =	vadd.s32 $0x1E0, v0;
	v11 =	vld.idx.msk [tilespmem:v60+s3+$0x0], $0xffff;
	[tilespmem:s17+$0x200] =	vst v6  }
0x1e6: {  	v6 =	vld.idx.msk [tilespmem:v50+s3+$0x0], $0xffff;
	[tilespmem:s19+$0x200] =	vst v3  }
0x1e7: {  	v53 =	vadd.s32 $0x1E0, v1;
	[tilespmem:s20+$0x200] =	vst v5;
	v3 =	vld.idx.msk [tilespmem:v51+s3+$0x0], $0xffff  }
0x1e8: {  	v54 =	vadd.s32 $0x1E0, v2;
	v5 =	vld.idx.msk [tilespmem:v18+s3+$0x0], $0xffff;
	[tilespmem:s5+$0x200] =	vst v8  }
0x1e9: {  	[tilespmem:s13+$0x280] =	vst v9;
	v8 =	vld.idx.msk [tilespmem:v17+s3+$0x0], $0xffff  }
0x1ea: {  	v9 =	vld.idx.msk [tilespmem:v52+s3+$0x0], $0xffff;
	[tilespmem:s14+$0x280] =	vst v11  }
0x1eb: {  	v55 =	vadd.s32 $0x1F0, v0;
	v56 =	vld.idx.msk [tilespmem:v14+s3+$0x0], $0xffff;
	[tilespmem:s17+$0x280] =	vst v6  }
0x1ec: {  	v6 =	vld.idx.msk [tilespmem:v53+s3+$0x0], $0xffff;
	[tilespmem:s19+$0x280] =	vst v3  }
0x1ed: {  	v57 =	vadd.s32 $0x1F0, v1;
	[tilespmem:s20+$0x280] =	vst v5;
	v3 =	vld.idx.msk [tilespmem:v54+s3+$0x0], $0xffff  }
0x1ee: {  	v59 =	vadd.s32 $0x1F0, v2;
	v60 =	vld.idx.msk [tilespmem:v16+s3+$0x0], $0xffff;
	[tilespmem:s5+$0x280] =	vst v8  }
0x1ef: {  	[tilespmem:s13+$0x300] =	vst v9;
	v58 =	vld.idx.msk [tilespmem:v15+s3+$0x0], $0xffff  }
0x1f0: {  	v0 =	vld.idx.msk [tilespmem:v55+s3+$0x0], $0xffff;
	[tilespmem:s14+$0x300] =	vst v56  }
0x1f1: {  	v61 =	vld.idx.msk [tilespmem:v12+s3+$0x0], $0xffff;
	[tilespmem:s17+$0x300] =	vst v6  }
0x1f2: {  	v1 =	vld.idx.msk [tilespmem:v57+s3+$0x0], $0xffff;
	[tilespmem:s19+$0x300] =	vst v3  }
0x1f3: {  	[tilespmem:s20+$0x300] =	vst v60;
	v2 =	vld.idx.msk [tilespmem:v59+s3+$0x0], $0xffff  }
0x1f4: {  	v63 =	vld.idx.msk [tilespmem:v29+s3+$0x0], $0xffff;
	[tilespmem:s5+$0x300] =	vst v58  }
0x1f5: {  	[tilespmem:s13+$0x380] =	vst v0;
	v62 =	vld.idx.msk [tilespmem:v13+s3+$0x0], $0xffff  }
0x1f6: {  	[tilespmem:s14+$0x380] =	vst v61  }
0x1f7: {  	[tilespmem:s17+$0x380] =	vst v1  }
0x1f8: {  	s21 =	sadd.s32 s6, s22;
	s30 =	simm.s32 $0x2000;
	[tilespmem:s19+$0x380] =	vst v2  }
0x1f9: {  	p0 =	sgt.u32 s22, $0x61;
	s29 =	sadd.s32 $0x3, s25;
	s28 =	sshll.u32 s21, $0x10;
	[tilespmem:s20+$0x380] =	vst v63  }
0x1fa: {  	s0 =	sadd.s32 @!p0 s22, s10;
	s31 =	simm.s32 $0x20000;
	s1 =	sadd.s32 s28, s9;
	[tilespmem:s5+$0x380] =	vst v62  }
0x1fb: {  	[hbm4b:s1+s30] =	stream.strided.scatter [tilespmem:s26], [sflag:s29], $0x8000, s31, s30, $0x38;
	[tilespmem:$0x10A00] =	vst v63  }
0x1fc: {  	s1 =	sshll.u32 @!p0 s0, $0x7;
	s0 =	sshll.u32 @!p0 s0, $0xE  }
0x1fd: {  	s1 =	sand.u32 @!p0 $0x380, s1;
	s0 =	sand.u32 @!p0 $0x7E0000, s0  }
0x1fe: {  	s0 =	sor.u32 @!p0 s0, s1  }
0x1ff: {  	s0 =	sor.u32 @!p0 s4, s0  }
0x200: {  	s22 =	sadd.s32 $0x1, s22;
	s1 =	rddreg [dreg:$0x0];
	s0 =	sshrl.u32 @!p0 s0, $0x3  }
0x201: {  	s2 =	simm.s32 @!p0 $0x400;
	s0 =	sadd.s32 @!p0 s1, s0;
	s1 =	simm.s32 @!p0 $0x80  }
0x202: {  	[tilespmem:s24], [sflag:s23] =	stream.strided.gather @!p0 [hbm4b:s0+s1], $0x400, s2, s1, $0x38;
	[tilespmem:$0x10A00] =	vst v63  }
0x203: {  	p0 =	sne.s32 s22, $0x64  }
.Ltmp1:
0x204: {  	_ = 	snop;
	(pc) =	sbr.rel @p0 .LBB2_2-.Ltmp1, $1  }
0x205: {  	_ =	sdelay $0x3  }
0x206: {  	s0 =	simm.s32 $0x3  }
0x207: {  	_ =	swait.ge [sflag:s0], $0x8000  }
0x208: {  	[sflag:s0] =	ssyncset.done $0x0  }
0x209: {  	s1 =	simm.s32 $0x4;
	[sflag:s0] =	ssyncadd.s32 $0xFFFF8000  }
0x20a: {  	_ =	swait.ge [sflag:s1], $0x8000  }
0x20b: {  	s2 =	rddreg [dreg:$0x8]  }
0x20c: {  	s31 =	rddreg [dreg:$0x7];
	s2 =	sadd.s32 $0x1, s2  }
0x20d: {  	p0 =	sne.s32 s2, s31  }
.Ltmp2:
0x20e: {  	_ = 	snop;
	(pc) =	sbr.rel @p0 .LBB2_1-.Ltmp2, $3  }
0x20f: {  	_ =	sdelay $0x1  }
0x210: {  	[sflag:s1] =	ssyncset.done $0x0  }
0x211: {  	[sflag:s1] =	ssyncadd.s32 $0xFFFF8000  }
0x212: {  	_ =	sfence.sel $0x180000  }
0x213: {  	[bflag:$0x0] =	sbarrier.arrive $0xFFFF  }
0x214: {  	_ =	strace $0x90000047  }
0x215: {  	s0 =	stileid.u32;
	[bflag:$0x2] =	sbarrier.arrive $0xFFFF  }
0x216: {  	p0 =	sne.s32 s0, $0x0;
	s0 =	rddreg [dreg:$0x3]  }
0x217: {  	s0 =	sadd.s32 @!p0 $0x100000, s0  }
0x218: {  	[sflag:s0] =	ssyncadd.tile.s32 @!p0 $0x1;
	_ =	shalt  }
.Lfunc_end2:
_tile_overlayer_lowered:
.L_overlay_start_2:
0x219: {  	(tag) =	ssettag $0x2  }
0x21a: {  	s0 =	rddreg [dreg:$0x0];
	s2 =	stileid.u32  }
0x21b: {  	s1 =	rddreg [dreg:$0x1];
	p0 =	sne.s32 s2, $0x0  }
0x21c: {  	s3 =	rddreg [dreg:$0x2];
	[bflag:$0x3] =	sbarrier.arrive $0xFFFF;
	s2 =	simm.s32 @!p0 $0x1C05  }
0x21d: {  	[timem:s3], [sflag:s2] =	dma.local @!p0 [hbm:s0], s1  }
0x21e: {  	s0 =	simm.s32 @!p0 $0x5  }
0x21f: {  	_ =	swait.ge @!p0 [sflag:s0], s1  }
0x220: {  	s1 =	ssub.s32 @!p0 $0x0, s1;
	[sflag:s0] =	ssyncset.done @!p0 $0x0  }
0x221: {  	[sflag:s0] =	ssyncadd.s32 @!p0 s1  }
0x222: {  	[bflag:$0x3] =	sbarrier.arrive $0xFFFF  }
0x223: {  	_ =	shalt  }

</sc_bundles>
